<compile_context>
chip_gen: v7x
topology: tpu7x:2x2x1
jax: 0.10.2.dev20260603
libtpu: 0.0.44.dev20260713+nightly
codegen_flags: <defaults>
</compile_context>

<pallas_src>
import functools

import jax
import jax.numpy as jnp
from jax import lax
from jax.experimental import pallas as pl
from jax.experimental.pallas import tpu as pltpu
from jax.experimental.pallas import tpu_sc as plsc

SIZE1 = 20000
HID = 64
EMB = 128
BATCH = 1024
SEQ = 64
K_NN = 20
TAU = 1.0
NPAD = 20096
RB = 128


def _sc_gather_rows(table, idx):
    info = plsc.get_sparse_core_info()
    nw = info.num_cores * info.num_subcores
    b_per_w = BATCH // nw
    mesh = plsc.VectorSubcoreMesh(core_axis_name="c", subcore_axis_name="s")

    @functools.partial(
        pl.kernel, mesh=mesh,
        out_type=jax.ShapeDtypeStruct((BATCH, EMB), jnp.float32),
        scratch_types=[
            pltpu.VMEM((b_per_w,), jnp.int32),
            pltpu.VMEM((b_per_w, EMB), jnp.float32),
            pltpu.SemaphoreType.DMA,
        ],
    )
    def k(table_hbm, idx_hbm, out_hbm, idx_v, rows_v, sem):
        wid = lax.axis_index("s") * info.num_cores + lax.axis_index("c")
        base = wid * b_per_w
        pltpu.sync_copy(idx_hbm.at[pl.ds(base, b_per_w)], idx_v)
        pltpu.async_copy(table_hbm.at[idx_v], rows_v, sem).wait()
        pltpu.sync_copy(rows_v, out_hbm.at[pl.ds(base, b_per_w)])

    return k(table, idx)


def _gru_body(xl_ref, xr_ref, wihl_ref, wihr_ref, bih0_ref, w0_ref, bhh0_ref,
              wih1_ref, bih1_ref, whh1_ref, bhh1_ref, wms_ref, bms_ref,
              ms_ref, h0_ref, h1_ref):
    h0_ref[...] = jnp.zeros((BATCH, 2 * HID), jnp.float32)
    h1_ref[...] = jnp.zeros((BATCH, 2 * HID), jnp.float32)
    tcol = lax.broadcasted_iota(jnp.int32, (BATCH, SEQ), 1)
    wihl = wihl_ref[...]
    wihr = wihr_ref[...]
    bih0 = bih0_ref[...]
    bhh0 = bhh0_ref[...]
    bih1 = bih1_ref[...]
    bhh1 = bhh1_ref[...]

    def gates(gi, gh, h):
        r = jax.nn.sigmoid(gi[:, 0:128] + gh[:, 0:128])
        z = jax.nn.sigmoid(gi[:, 128:256] + gh[:, 128:256])
        n = jnp.tanh(gi[:, 256:384] + r * gh[:, 256:384])
        return (1.0 - z) * n + z * h

    def step(t, _):
        sel = tcol == t
        xlt = jnp.sum(jnp.where(sel, xl_ref[...], 0.0), axis=1, keepdims=True)
        xrt = jnp.sum(jnp.where(sel, xr_ref[...], 0.0), axis=1, keepdims=True)
        h0 = h0_ref[...]
        gi0 = xlt * wihl + xrt * wihr + bih0
        gh0 = jnp.dot(h0, w0_ref[...], preferred_element_type=jnp.float32) + bhh0
        h0 = gates(gi0, gh0, h0)
        h0_ref[...] = h0
        h1 = h1_ref[...]
        gi1 = jnp.dot(h0, wih1_ref[...], preferred_element_type=jnp.float32) + bih1
        gh1 = jnp.dot(h1, whh1_ref[...], preferred_element_type=jnp.float32) + bhh1
        h1_ref[...] = gates(gi1, gh1, h1)
        return 0

    lax.fori_loop(0, SEQ, step, 0)
    ms_ref[...] = jnp.dot(h1_ref[...], wms_ref[...],
                          preferred_element_type=jnp.float32) + bms_ref[...]


def _interleave_gates(vl, vr):
    parts = []
    for g in range(3):
        parts.append(vl[g * HID:(g + 1) * HID])
        parts.append(vr[g * HID:(g + 1) * HID])
    return jnp.concatenate(parts)


def _bd_gates(wl, wr):
    in_l, in_r = wl.shape[1], wr.shape[1]
    cols = []
    for g in range(3):
        cl = wl[g * HID:(g + 1) * HID, :].T
        cr = wr[g * HID:(g + 1) * HID, :].T
        top = jnp.concatenate([cl, jnp.zeros((in_l, HID), wl.dtype)], axis=1)
        bot = jnp.concatenate([jnp.zeros((in_r, HID), wr.dtype), cr], axis=1)
        cols.append(jnp.concatenate([top, bot], axis=0))
    return jnp.concatenate(cols, axis=1)


def _gru_call(x_left, x_right, p):
    zeros64 = jnp.zeros((HID,), jnp.float32)
    wl0 = p['W_ih_l0'][:, 0]
    wr0 = p['W_ih_r0'][:, 0]
    wihl = jnp.concatenate([wl0[0:64], zeros64, wl0[64:128], zeros64,
                            wl0[128:192], zeros64])[None, :]
    wihr = jnp.concatenate([zeros64, wr0[0:64], zeros64, wr0[64:128],
                            zeros64, wr0[128:192]])[None, :]
    bih0 = _interleave_gates(p['b_ih_l0'], p['b_ih_r0'])[None, :]
    bhh0 = _interleave_gates(p['b_hh_l0'], p['b_hh_r0'])[None, :]
    bih1 = _interleave_gates(p['b_ih_l1'], p['b_ih_r1'])[None, :]
    bhh1 = _interleave_gates(p['b_hh_l1'], p['b_hh_r1'])[None, :]
    w0 = _bd_gates(p['W_hh_l0'], p['W_hh_r0'])
    wih1 = _bd_gates(p['W_ih_l1'], p['W_ih_r1'])
    whh1 = _bd_gates(p['W_hh_l1'], p['W_hh_r1'])
    wms = jnp.concatenate([p['W_mean'].T, p['W_std'].T], axis=1)
    bms = jnp.concatenate([p['b_mean'], p['b_std']])[None, :]
    return pl.pallas_call(
        _gru_body,
        out_shape=jax.ShapeDtypeStruct((BATCH, 2), jnp.float32),
        scratch_shapes=[pltpu.VMEM((BATCH, 2 * HID), jnp.float32),
                        pltpu.VMEM((BATCH, 2 * HID), jnp.float32)],
    )(x_left, x_right, wihl, wihr, bih0, w0, bhh0, wih1, bih1, whh1, bhh1,
      wms, bms)


NCH = NPAD // 128
KSEL = K_NN + 1


def _phase1_body(q_ref, embt_ref, d2_ref, gidx_ref):
    q = q_ref[...]
    embt = embt_ref[...]
    s = jnp.dot(q, embt, preferred_element_type=jnp.float32)
    q2 = jnp.sum(q * q, axis=1, keepdims=True)
    e2 = jnp.sum(embt * embt, axis=0, keepdims=True)
    cols = lax.broadcasted_iota(jnp.int32, (RB, NPAD), 1)
    d2 = jnp.where(cols < SIZE1,
                   jnp.clip(q2 + e2 - 2.0 * s, 1e-12, None),
                   jnp.float32(3e38))
    d2_ref[...] = d2
    c = jnp.max(-d2.reshape(RB, NCH, 128), axis=2)
    chiota = lax.broadcasted_iota(jnp.int32, (RB, NCH), 1)
    lanek = lax.broadcasted_iota(jnp.int32, (RB, KSEL), 1)
    rowbase = (pl.program_id(0) * RB
               + lax.broadcasted_iota(jnp.int32, (RB, 1), 0)) * NCH

    def it(k, carry):
        c, acc = carry
        m = jnp.max(c, axis=1, keepdims=True)
        j = jnp.max(jnp.where(c >= m, chiota, -1), axis=1, keepdims=True)
        c = jnp.where(chiota == j, -jnp.float32(3.3e38), c)
        acc = jnp.where(lanek == k, rowbase + j, acc)
        return c, acc

    _, acc = lax.fori_loop(0, KSEL, it,
                           (c, jnp.zeros((RB, KSEL), jnp.int32)))
    gidx_ref[...] = acc


def _phase1_call(q, embt):
    return pl.pallas_call(
        _phase1_body,
        grid=(BATCH // RB,),
        in_specs=[
            pl.BlockSpec((RB, EMB), lambda i: (i, 0)),
            pl.BlockSpec((EMB, NPAD), lambda i: (0, 0)),
        ],
        out_specs=[pl.BlockSpec((RB, NPAD), lambda i: (i, 0)),
                   pl.BlockSpec((RB, KSEL), lambda i: (i, 0))],
        out_shape=[jax.ShapeDtypeStruct((BATCH, NPAD), jnp.float32),
                   jax.ShapeDtypeStruct((BATCH, KSEL), jnp.int32)],
    )(q, embt)


def _sc_gather_chunk_rows(table, idx):
    n = BATCH * KSEL
    info = plsc.get_sparse_core_info()
    nw = info.num_cores * info.num_subcores
    per_w = n // nw
    csz = 112
    nchunk = per_w // csz
    mesh = plsc.VectorSubcoreMesh(core_axis_name="c", subcore_axis_name="s")

    @functools.partial(
        pl.kernel, mesh=mesh,
        out_type=jax.ShapeDtypeStruct((n, 128), jnp.float32),
        scratch_types=[
            pltpu.VMEM((per_w,), jnp.int32),
            pltpu.VMEM((per_w, 128), jnp.float32),
            pltpu.SemaphoreType.DMA,
        ],
    )
    def k(table_hbm, idx_hbm, out_hbm, idx_v, rows_v, sem):
        wid = lax.axis_index("s") * info.num_cores + lax.axis_index("c")
        base = wid * per_w
        pltpu.sync_copy(idx_hbm.at[pl.ds(base, per_w)], idx_v)
        copies = [
            pltpu.async_copy(table_hbm.at[idx_v.at[pl.ds(t * csz, csz)]],
                             rows_v.at[pl.ds(t * csz, csz)], sem)
            for t in range(nchunk)
        ]
        for c in copies:
            c.wait()
        pltpu.sync_copy(rows_v, out_hbm.at[pl.ds(base, per_w)])

    return k(table, idx)


NCAND = KSEL * 128


def _phase2_body(dc_ref, gidx_ref, dsel_ref, fidx_ref, wv_ref):
    wv_ref[...] = -dc_ref[...]
    pos = lax.broadcasted_iota(jnp.int32, (RB, NCAND), 1)
    lanek = lax.broadcasted_iota(jnp.int32, (RB, KSEL), 1)
    rows = lax.broadcasted_iota(jnp.int32, (RB, 1), 0)
    chunkrel = gidx_ref[...] - (pl.program_id(0) * RB + rows) * NCH

    m0 = jnp.max(wv_ref[...], axis=1, keepdims=True)

    def it(k, carry):
        m, dacc, pacc = carry
        wv = wv_ref[...]
        j = jnp.max(jnp.where(wv >= m, pos, -1), axis=1, keepdims=True)
        wvn = jnp.where(pos == j, -jnp.float32(3.3e38), wv)
        wv_ref[...] = wvn
        m_next = jnp.max(wvn, axis=1, keepdims=True)
        c = j // 128
        l = j - c * 128
        chunk = jnp.sum(jnp.where(lanek == c, chunkrel, 0),
                        axis=1, keepdims=True)
        col = chunk * 128 + l
        dacc = jnp.where(lanek == k, -m, dacc)
        pacc = jnp.where(lanek == k, col, pacc)
        return m_next, dacc, pacc

    _, dacc, pacc = lax.fori_loop(
        0, KSEL, it,
        (m0, jnp.zeros((RB, KSEL), jnp.float32),
         jnp.zeros((RB, KSEL), jnp.int32)))
    dsel_ref[...] = dacc
    fidx_ref[...] = (pl.program_id(0) * RB + rows) * SIZE1 + pacc


def _phase2_call(d_c, gidx):
    return pl.pallas_call(
        _phase2_body,
        grid=(BATCH // RB,),
        in_specs=[
            pl.BlockSpec((RB, NCAND), lambda i: (i, 0)),
            pl.BlockSpec((RB, KSEL), lambda i: (i, 0)),
        ],
        out_specs=[pl.BlockSpec((RB, KSEL), lambda i: (i, 0)),
                   pl.BlockSpec((RB, KSEL), lambda i: (i, 0))],
        out_shape=[jax.ShapeDtypeStruct((BATCH, KSEL), jnp.float32),
                   jax.ShapeDtypeStruct((BATCH, KSEL), jnp.int32)],
        scratch_shapes=[pltpu.VMEM((RB, NCAND), jnp.float32)],
    )(d_c, gidx)


def _knn_call(q, y1_context, emb):
    embt = jnp.pad(emb.T, ((0, 0), (0, NPAD - SIZE1)))
    w, gidx = _phase1_call(q, embt)
    w_c = _sc_gather_chunk_rows(w.reshape(BATCH * NCH, 128),
                                gidx.reshape(-1))
    dsel, fidx = _phase2_call(w_c.reshape(BATCH, NCAND), gidx)
    yrows = _sc_gather_chunk_rows(y1_context.reshape(-1, 128),
                                  (fidx // 128).reshape(-1))
    return dsel, yrows.reshape(BATCH, NCAND), fidx


def _combine_body(dsel_ref, yrows_ref, fidx_ref, ms_ref, y_ref, w1_ref, b1_ref,
                  wo_ref, bo_ref, err1_ref, err2_ref, mo_ref):
    lanek = lax.broadcasted_iota(jnp.int32, (BATCH, KSEL), 1)
    lane128 = lax.broadcasted_iota(jnp.int32, (BATCH, KSEL, 128), 2)
    tgt = (fidx_ref[...] % 128)[:, :, None]
    yrows = yrows_ref[...].reshape(BATCH, KSEL, 128)
    ysel = jnp.sum(jnp.where(lane128 == tgt, yrows, 0.0), axis=2)
    wsel = jnp.exp(-jnp.sqrt(dsel_ref[...]) / TAU)
    valid = lanek > 0
    ws = jnp.where(valid, wsel, 0.0)
    ys = jnp.where(valid, ysel, 0.0)
    wsum = jnp.sum(ws, axis=1, keepdims=True)
    f1 = jnp.sum(ws * ys, axis=1, keepdims=True) / wsum
    sy = jnp.sum(ys, axis=1, keepdims=True)
    sy2 = jnp.sum(ys * ys, axis=1, keepdims=True)
    f3 = jnp.sqrt(jnp.clip((sy2 - sy * sy / K_NN) / (K_NN - 1), 0.0, None))
    ms = ms_ref[...]
    y = y_ref[...]
    feats = jnp.concatenate([f1, wsum, f3, ms, jnp.zeros((BATCH, 3), jnp.float32)],
                            axis=1)
    h = jnp.clip(jnp.dot(feats, w1_ref[...], preferred_element_type=jnp.float32)
                 + b1_ref[...], 0.0, None)
    o = jnp.dot(h, wo_ref[...], preferred_element_type=jnp.float32) + bo_ref[...]
    mean_out = o[:, 0:1]
    std_out = o[:, 1:2]
    mean_ts = ms[:, 0:1]
    std_ts = ms[:, 1:2]
    err1_ref[...] = jnp.mean((y - mean_ts) ** 2 / jnp.exp(std_ts) + std_ts,
                             keepdims=True)
    err2_ref[...] = jnp.mean((y - mean_out) ** 2 / jnp.exp(std_out) + std_out,
                             keepdims=True)
    mo_ref[...] = mean_out


def _combine_call(wsel, yrows, fidx, ms, y, p):
    w1 = jnp.pad(p['W_out1'].T, ((0, 3), (0, 0)))
    b1 = p['b_out1'][None, :]
    wo = jnp.concatenate([p['W_mo'].T, p['W_so'].T], axis=1)
    bo = jnp.concatenate([p['b_mo'], p['b_so']])[None, :]
    return pl.pallas_call(
        _combine_body,
        out_shape=[jax.ShapeDtypeStruct((1, 1), jnp.float32),
                   jax.ShapeDtypeStruct((1, 1), jnp.float32),
                   jax.ShapeDtypeStruct((BATCH, 1), jnp.float32)],
    )(wsel, yrows, fidx, ms, y[:, None], w1, b1, wo, bo)


def kernel(x_left, x_right, y, index1, y1_context, params):
    p = params
    q = _sc_gather_rows(p['emb'], index1)
    wsel, yrows, fidx = _knn_call(q, y1_context, p['emb'])
    ms = _gru_call(x_left, x_right, p)
    err1, err2, mean_out = _combine_call(wsel, yrows, fidx, ms, y, p)
    return err1[0, 0], err2[0, 0], mean_out

# --- scband reference (transcript-rebuilt; emitter-appended) ---
"""Pipeline reference for scband-proposal1-model1-d-25391846654129 (READ-ONLY COPY).

The authoritative reference and input builder live on the scoring server;
editing this copy changes nothing except your own understanding.
"""

import jax, jax.numpy as jnp
import numpy as np

SIZE1 = 20000
HID = 64
EMB = 128
B = 1024
L = 64
K_NN = 20
TAU = 1.0


def setup_inputs(seed: int = 0):
    key = jax.random.key(seed)
    ks = jax.random.split(key, 32)
    inp = {}
    inp['x_left'] = jax.random.normal(ks[0], (B, L), dtype=jnp.float32)
    inp['x_right'] = jax.random.normal(ks[1], (B, L), dtype=jnp.float32)
    inp['y'] = jax.random.normal(ks[2], (B,), dtype=jnp.float32)
    inp['index1'] = jax.random.randint(ks[3], (B,), 0, SIZE1, dtype=jnp.int32)
    inp['y1_context'] = jax.random.normal(ks[4], (B, SIZE1), dtype=jnp.float32)
    p = {}
    i = 6
    for side in ('l', 'r'):
        for layer in (0, 1):
            ind = 1 if layer == 0 else HID
            p['W_ih_%s%d' % (side, layer)] = jax.random.normal(ks[i], (3 * HID, ind), dtype=jnp.float32) * 0.1; i += 1
            p['W_hh_%s%d' % (side, layer)] = jax.random.normal(ks[i], (3 * HID, HID), dtype=jnp.float32) * 0.1; i += 1
            p['b_ih_%s%d' % (side, layer)] = jnp.zeros((3 * HID,), dtype=jnp.float32)
            p['b_hh_%s%d' % (side, layer)] = jnp.zeros((3 * HID,), dtype=jnp.float32)
    p['W_mean'] = jax.random.normal(ks[i], (1, 2 * HID), dtype=jnp.float32) * 0.1; i += 1
    p['b_mean'] = jnp.zeros((1,), dtype=jnp.float32)
    p['W_std'] = jax.random.normal(ks[i], (1, 2 * HID), dtype=jnp.float32) * 0.1; i += 1
    p['b_std'] = jnp.zeros((1,), dtype=jnp.float32)
    p['emb'] = jax.random.normal(ks[i], (SIZE1, EMB), dtype=jnp.float32) * 0.1; i += 1
    p['W_out1'] = jax.random.normal(ks[i], (64, 5), dtype=jnp.float32) * 0.1; i += 1
    p['b_out1'] = jnp.zeros((64,), dtype=jnp.float32)
    p['W_mo'] = jax.random.normal(ks[i], (1, 64), dtype=jnp.float32) * 0.1; i += 1
    p['b_mo'] = jnp.zeros((1,), dtype=jnp.float32)
    p['W_so'] = jax.random.normal(ks[i], (1, 64), dtype=jnp.float32) * 0.1; i += 1
    p['b_so'] = jnp.zeros((1,), dtype=jnp.float32)
    inp['params'] = p
    return inp


def _gru_layer(x, Wih, Whh, bih, bhh):
    # x: [T, B, in] -> [T, B, H], PyTorch GRU gate order (r, z, n)
    H = Whh.shape[1]
    def step(h, xt):
        gi = xt @ Wih.T + bih
        gh = h @ Whh.T + bhh
        ir, iz, inn = jnp.split(gi, 3, axis=-1)
        hr, hz, hn = jnp.split(gh, 3, axis=-1)
        r = jax.nn.sigmoid(ir + hr)
        z = jax.nn.sigmoid(iz + hz)
        n = jnp.tanh(inn + r * hn)
        hnew = (1.0 - z) * n + z * h
        return hnew, hnew
    h0 = jnp.zeros((x.shape[1], H), x.dtype)
    _, ys = jax.lax.scan(step, h0, x)
    return ys


def _gru2(x, p, side):
    h = _gru_layer(x, p['W_ih_%s0' % side], p['W_hh_%s0' % side], p['b_ih_%s0' % side], p['b_hh_%s0' % side])
    h = _gru_layer(h, p['W_ih_%s1' % side], p['W_hh_%s1' % side], p['b_ih_%s1' % side], p['b_hh_%s1' % side])
    return h


def _compute_feats(y1_context, index1, params):
    emb = params['emb']
    q = emb[index1]  # [B, EMB]
    d2 = jnp.sum(q * q, axis=1, keepdims=True) + jnp.sum(emb * emb, axis=1)[None, :] - 2.0 * (q @ emb.T)
    sim = jnp.sqrt(jnp.clip(d2, 1e-12, None))  # cdist p=2, [B, SIZE1]
    weights = jnp.exp(-sim / TAU)
    order = jnp.argsort(weights, axis=1)
    idx = order[:, -(K_NN + 1):-1]  # top-k excluding self (largest)
    sel = jnp.take_along_axis(y1_context, idx, axis=1)
    w = jnp.take_along_axis(weights, idx, axis=1)
    wsum = jnp.sum(w, axis=1, keepdims=True)
    f1 = jnp.sum(sel * w, axis=1, keepdims=True) / wsum
    f3 = jnp.std(sel, axis=1, keepdims=True, ddof=1)  # torch.std unbiased
    return jnp.concatenate([f1, wsum, f3], axis=1)


def _forward(x_left, x_right, y, y1_context, params, index1):
    xl = x_left.T[:, :, None]  # [L, B, 1]
    xr = x_right.T[:, :, None]
    out_left = _gru2(xl, params, 'l')[-1]  # [B, HID]
    out_right = _gru2(xr, params, 'r')[-1]
    temp = jnp.concatenate([out_left, out_right], axis=1)
    mean_ts = temp @ params['W_mean'].T + params['b_mean']
    std_ts = temp @ params['W_std'].T + params['b_std']
    knn = _compute_feats(y1_context, index1, params)
    feats = jnp.concatenate([knn, mean_ts, std_ts], axis=1)  # [B, 5]
    h = jnp.clip(feats @ params['W_out1'].T + params['b_out1'], 0.0, None)
    mean_out = h @ params['W_mo'].T + params['b_mo']
    std_out = h @ params['W_so'].T + params['b_so']
    err1 = jnp.mean((y[:, None] - mean_ts) ** 2 / jnp.exp(std_ts) + std_ts)
    err2 = jnp.mean((y[:, None] - mean_out) ** 2 / jnp.exp(std_out) + std_out)
    return (err1, err2, mean_out)


def reference(x_left, x_right, y, index1, y1_context, params):
    return _forward(x_left, x_right, y, y1_context, params, index1)

if __name__ == "__main__":
    import jax
    _d = setup_inputs()
    print(jax.jit(kernel)(*tuple(_d.values())))

</pallas_src>

<mosaic_0001>
#map = affine_map<(d0, d1) -> (0, 0)>
#map1 = affine_map<(d0, d1) -> (0)>
module attributes {stable_mosaic.version = 14 : i64} {
  func.func @k(%arg0: i32, %arg1: i32, %arg2: memref<160000x128xf32, #tpu.memory_space<hbm>>, %arg3: memref<21504xi32, #tpu.memory_space<hbm>>, %arg4: memref<21504x128xf32, #tpu.memory_space<hbm>>, %arg5: memref<672xi32, #tpu.memory_space<vmem>>, %arg6: memref<672x128xf32, #tpu.memory_space<vmem>>, %arg7: memref<!tpu.dma_semaphore, #tpu.memory_space<semaphore_mem>>) attributes {dimension_semantics = [#tpu.dimension_semantics<core_parallel>, #tpu.dimension_semantics<subcore_parallel>], iteration_bounds = array<i64: 2, 16>, scalar_prefetch = 0 : i64, scratch_operands = 3 : i64, tpu.core_type = #tpu.core_type<sc_vector_subcore>, window_params = [{transform_indices = #map}, {transform_indices = #map1}, {transform_indices = #map}]} {
    %mul3A = arith.constant 2 : i32
    %mul3A_0 = arith.muli %arg1, %mul3A : i32
    %add3A = arith.addi %mul3A_0, %arg0 : i32
    %mul3A_1 = arith.constant 672 : i32
    %mul3A_2 = arith.muli %add3A, %mul3A_1 : i32
    "tpu.region"() ({
      %run_scoped3A = tpu.sem_alloc : memref<!tpu.dma_semaphore, #tpu.memory_space<semaphore_mem>>
      %dma_start3A_97 = tpu.memref_slice %arg3[%mul3A_2] : memref<21504xi32, #tpu.memory_space<hbm>> -> memref<672xi32, #tpu.memory_space<hbm>>
      %dma_start3A_98 = tpu.memref_slice %arg3[%mul3A_2] : memref<21504xi32, #tpu.memory_space<hbm>> -> memref<672xi32, #tpu.memory_space<hbm>>
      tpu.enqueue_dma source(%dma_start3A_98 : memref<672xi32, #tpu.memory_space<hbm>>) target(%arg5 : memref<672xi32, #tpu.memory_space<vmem>>) target_semaphore(%run_scoped3A : memref<!tpu.dma_semaphore, #tpu.memory_space<semaphore_mem>>)
      %dma_wait3A_99 = tpu.memref_slice %arg3[%mul3A_2] : memref<21504xi32, #tpu.memory_space<hbm>> -> memref<672xi32, #tpu.memory_space<hbm>>
      %dma_wait3A_100 = tpu.memref_slice %arg3[%mul3A_2] : memref<21504xi32, #tpu.memory_space<hbm>> -> memref<672xi32, #tpu.memory_space<hbm>>
      tpu.wait_dma2 semaphore(%run_scoped3A : memref<!tpu.dma_semaphore, #tpu.memory_space<semaphore_mem>>) src(%dma_wait3A_100 : memref<672xi32, #tpu.memory_space<hbm>>) dst(%arg5 : memref<672xi32, #tpu.memory_space<vmem>>)
      tpu.yield
    }) : () -> ()
    %dma_start3A = arith.constant 0 : i32
    %dma_start3A_3 = arith.constant 0 : i32
    %dma_start3A_4 = tpu.memref_slice %arg6[%dma_start3A, %dma_start3A_3] : memref<672x128xf32, #tpu.memory_space<vmem>> -> memref<112x128xf32, #tpu.memory_space<vmem>>
    %dma_start3A_5 = arith.constant 0 : i32
    %dma_start3A_6 = tpu.memref_slice %arg5[%dma_start3A_5] : memref<672xi32, #tpu.memory_space<vmem>> -> memref<112xi32, #tpu.memory_space<vmem>>
    %dma_start3A_7 = arith.constant 0 : i32
    %dma_start3A_8 = arith.constant 0 : i32
    %dma_start3A_9 = tpu.memref_slice %arg2[%dma_start3A_7, %dma_start3A_8] : memref<160000x128xf32, #tpu.memory_space<hbm>> -> memref<160000x128xf32, #tpu.memory_space<hbm>>
    tpu.enqueue_indirect_dma source(%dma_start3A_9 : memref<160000x128xf32, #tpu.memory_space<hbm>>) target(%dma_start3A_4 : memref<112x128xf32, #tpu.memory_space<vmem>>) offsets(%dma_start3A_6 : memref<112xi32, #tpu.memory_space<vmem>>) semaphore(%arg7 : memref<!tpu.dma_semaphore, #tpu.memory_space<semaphore_mem>>)
    %dma_start3A_10 = arith.constant 112 : i32
    %dma_start3A_11 = arith.constant 0 : i32
    %dma_start3A_12 = tpu.memref_slice %arg6[%dma_start3A_10, %dma_start3A_11] : memref<672x128xf32, #tpu.memory_space<vmem>> -> memref<112x128xf32, #tpu.memory_space<vmem>>
    %dma_start3A_13 = arith.constant 112 : i32
    %dma_start3A_14 = tpu.memref_slice %arg5[%dma_start3A_13] : memref<672xi32, #tpu.memory_space<vmem>> -> memref<112xi32, #tpu.memory_space<vmem>>
    %dma_start3A_15 = arith.constant 0 : i32
    %dma_start3A_16 = arith.constant 0 : i32
    %dma_start3A_17 = tpu.memref_slice %arg2[%dma_start3A_15, %dma_start3A_16] : memref<160000x128xf32, #tpu.memory_space<hbm>> -> memref<160000x128xf32, #tpu.memory_space<hbm>>
    tpu.enqueue_indirect_dma source(%dma_start3A_17 : memref<160000x128xf32, #tpu.memory_space<hbm>>) target(%dma_start3A_12 : memref<112x128xf32, #tpu.memory_space<vmem>>) offsets(%dma_start3A_14 : memref<112xi32, #tpu.memory_space<vmem>>) semaphore(%arg7 : memref<!tpu.dma_semaphore, #tpu.memory_space<semaphore_mem>>)
    %dma_start3A_18 = arith.constant 224 : i32
    %dma_start3A_19 = arith.constant 0 : i32
    %dma_start3A_20 = tpu.memref_slice %arg6[%dma_start3A_18, %dma_start3A_19] : memref<672x128xf32, #tpu.memory_space<vmem>> -> memref<112x128xf32, #tpu.memory_space<vmem>>
    %dma_start3A_21 = arith.constant 224 : i32
    %dma_start3A_22 = tpu.memref_slice %arg5[%dma_start3A_21] : memref<672xi32, #tpu.memory_space<vmem>> -> memref<112xi32, #tpu.memory_space<vmem>>
    %dma_start3A_23 = arith.constant 0 : i32
    %dma_start3A_24 = arith.constant 0 : i32
    %dma_start3A_25 = tpu.memref_slice %arg2[%dma_start3A_23, %dma_start3A_24] : memref<160000x128xf32, #tpu.memory_space<hbm>> -> memref<160000x128xf32, #tpu.memory_space<hbm>>
    tpu.enqueue_indirect_dma source(%dma_start3A_25 : memref<160000x128xf32, #tpu.memory_space<hbm>>) target(%dma_start3A_20 : memref<112x128xf32, #tpu.memory_space<vmem>>) offsets(%dma_start3A_22 : memref<112xi32, #tpu.memory_space<vmem>>) semaphore(%arg7 : memref<!tpu.dma_semaphore, #tpu.memory_space<semaphore_mem>>)
    %dma_start3A_26 = arith.constant 336 : i32
    %dma_start3A_27 = arith.constant 0 : i32
    %dma_start3A_28 = tpu.memref_slice %arg6[%dma_start3A_26, %dma_start3A_27] : memref<672x128xf32, #tpu.memory_space<vmem>> -> memref<112x128xf32, #tpu.memory_space<vmem>>
    %dma_start3A_29 = arith.constant 336 : i32
    %dma_start3A_30 = tpu.memref_slice %arg5[%dma_start3A_29] : memref<672xi32, #tpu.memory_space<vmem>> -> memref<112xi32, #tpu.memory_space<vmem>>
    %dma_start3A_31 = arith.constant 0 : i32
    %dma_start3A_32 = arith.constant 0 : i32
    %dma_start3A_33 = tpu.memref_slice %arg2[%dma_start3A_31, %dma_start3A_32] : memref<160000x128xf32, #tpu.memory_space<hbm>> -> memref<160000x128xf32, #tpu.memory_space<hbm>>
    tpu.enqueue_indirect_dma source(%dma_start3A_33 : memref<160000x128xf32, #tpu.memory_space<hbm>>) target(%dma_start3A_28 : memref<112x128xf32, #tpu.memory_space<vmem>>) offsets(%dma_start3A_30 : memref<112xi32, #tpu.memory_space<vmem>>) semaphore(%arg7 : memref<!tpu.dma_semaphore, #tpu.memory_space<semaphore_mem>>)
    %dma_start3A_34 = arith.constant 448 : i32
    %dma_start3A_35 = arith.constant 0 : i32
    %dma_start3A_36 = tpu.memref_slice %arg6[%dma_start3A_34, %dma_start3A_35] : memref<672x128xf32, #tpu.memory_space<vmem>> -> memref<112x128xf32, #tpu.memory_space<vmem>>
    %dma_start3A_37 = arith.constant 448 : i32
    %dma_start3A_38 = tpu.memref_slice %arg5[%dma_start3A_37] : memref<672xi32, #tpu.memory_space<vmem>> -> memref<112xi32, #tpu.memory_space<vmem>>
    %dma_start3A_39 = arith.constant 0 : i32
    %dma_start3A_40 = arith.constant 0 : i32
    %dma_start3A_41 = tpu.memref_slice %arg2[%dma_start3A_39, %dma_start3A_40] : memref<160000x128xf32, #tpu.memory_space<hbm>> -> memref<160000x128xf32, #tpu.memory_space<hbm>>
    tpu.enqueue_indirect_dma source(%dma_start3A_41 : memref<160000x128xf32, #tpu.memory_space<hbm>>) target(%dma_start3A_36 : memref<112x128xf32, #tpu.memory_space<vmem>>) offsets(%dma_start3A_38 : memref<112xi32, #tpu.memory_space<vmem>>) semaphore(%arg7 : memref<!tpu.dma_semaphore, #tpu.memory_space<semaphore_mem>>)
    %dma_start3A_42 = arith.constant 560 : i32
    %dma_start3A_43 = arith.constant 0 : i32
    %dma_start3A_44 = tpu.memref_slice %arg6[%dma_start3A_42, %dma_start3A_43] : memref<672x128xf32, #tpu.memory_space<vmem>> -> memref<112x128xf32, #tpu.memory_space<vmem>>
    %dma_start3A_45 = arith.constant 560 : i32
    %dma_start3A_46 = tpu.memref_slice %arg5[%dma_start3A_45] : memref<672xi32, #tpu.memory_space<vmem>> -> memref<112xi32, #tpu.memory_space<vmem>>
    %dma_start3A_47 = arith.constant 0 : i32
    %dma_start3A_48 = arith.constant 0 : i32
    %dma_start3A_49 = tpu.memref_slice %arg2[%dma_start3A_47, %dma_start3A_48] : memref<160000x128xf32, #tpu.memory_space<hbm>> -> memref<160000x128xf32, #tpu.memory_space<hbm>>
    tpu.enqueue_indirect_dma source(%dma_start3A_49 : memref<160000x128xf32, #tpu.memory_space<hbm>>) target(%dma_start3A_44 : memref<112x128xf32, #tpu.memory_space<vmem>>) offsets(%dma_start3A_46 : memref<112xi32, #tpu.memory_space<vmem>>) semaphore(%arg7 : memref<!tpu.dma_semaphore, #tpu.memory_space<semaphore_mem>>)
    %dma_wait3A = arith.constant 0 : i32
    %dma_wait3A_50 = arith.constant 0 : i32
    %dma_wait3A_51 = tpu.memref_slice %arg6[%dma_wait3A, %dma_wait3A_50] : memref<672x128xf32, #tpu.memory_space<vmem>> -> memref<112x128xf32, #tpu.memory_space<vmem>>
    %dma_wait3A_52 = arith.constant 0 : i32
    %dma_wait3A_53 = tpu.memref_slice %arg5[%dma_wait3A_52] : memref<672xi32, #tpu.memory_space<vmem>> -> memref<112xi32, #tpu.memory_space<vmem>>
    %dma_wait3A_54 = arith.constant 0 : i32
    %dma_wait3A_55 = arith.constant 0 : i32
    %dma_wait3A_56 = tpu.memref_slice %arg2[%dma_wait3A_54, %dma_wait3A_55] : memref<160000x128xf32, #tpu.memory_space<hbm>> -> memref<160000x128xf32, #tpu.memory_space<hbm>>
    tpu.wait_indirect_dma semaphore(%arg7 : memref<!tpu.dma_semaphore, #tpu.memory_space<semaphore_mem>>) src(%dma_wait3A_56 : memref<160000x128xf32, #tpu.memory_space<hbm>>) dst(%dma_wait3A_51 : memref<112x128xf32, #tpu.memory_space<vmem>>)
    %dma_wait3A_57 = arith.constant 112 : i32
    %dma_wait3A_58 = arith.constant 0 : i32
    %dma_wait3A_59 = tpu.memref_slice %arg6[%dma_wait3A_57, %dma_wait3A_58] : memref<672x128xf32, #tpu.memory_space<vmem>> -> memref<112x128xf32, #tpu.memory_space<vmem>>
    %dma_wait3A_60 = arith.constant 112 : i32
    %dma_wait3A_61 = tpu.memref_slice %arg5[%dma_wait3A_60] : memref<672xi32, #tpu.memory_space<vmem>> -> memref<112xi32, #tpu.memory_space<vmem>>
    %dma_wait3A_62 = arith.constant 0 : i32
    %dma_wait3A_63 = arith.constant 0 : i32
    %dma_wait3A_64 = tpu.memref_slice %arg2[%dma_wait3A_62, %dma_wait3A_63] : memref<160000x128xf32, #tpu.memory_space<hbm>> -> memref<160000x128xf32, #tpu.memory_space<hbm>>
    tpu.wait_indirect_dma semaphore(%arg7 : memref<!tpu.dma_semaphore, #tpu.memory_space<semaphore_mem>>) src(%dma_wait3A_64 : memref<160000x128xf32, #tpu.memory_space<hbm>>) dst(%dma_wait3A_59 : memref<112x128xf32, #tpu.memory_space<vmem>>)
    %dma_wait3A_65 = arith.constant 224 : i32
    %dma_wait3A_66 = arith.constant 0 : i32
    %dma_wait3A_67 = tpu.memref_slice %arg6[%dma_wait3A_65, %dma_wait3A_66] : memref<672x128xf32, #tpu.memory_space<vmem>> -> memref<112x128xf32, #tpu.memory_space<vmem>>
    %dma_wait3A_68 = arith.constant 224 : i32
    %dma_wait3A_69 = tpu.memref_slice %arg5[%dma_wait3A_68] : memref<672xi32, #tpu.memory_space<vmem>> -> memref<112xi32, #tpu.memory_space<vmem>>
    %dma_wait3A_70 = arith.constant 0 : i32
    %dma_wait3A_71 = arith.constant 0 : i32
    %dma_wait3A_72 = tpu.memref_slice %arg2[%dma_wait3A_70, %dma_wait3A_71] : memref<160000x128xf32, #tpu.memory_space<hbm>> -> memref<160000x128xf32, #tpu.memory_space<hbm>>
    tpu.wait_indirect_dma semaphore(%arg7 : memref<!tpu.dma_semaphore, #tpu.memory_space<semaphore_mem>>) src(%dma_wait3A_72 : memref<160000x128xf32, #tpu.memory_space<hbm>>) dst(%dma_wait3A_67 : memref<112x128xf32, #tpu.memory_space<vmem>>)
    %dma_wait3A_73 = arith.constant 336 : i32
    %dma_wait3A_74 = arith.constant 0 : i32
    %dma_wait3A_75 = tpu.memref_slice %arg6[%dma_wait3A_73, %dma_wait3A_74] : memref<672x128xf32, #tpu.memory_space<vmem>> -> memref<112x128xf32, #tpu.memory_space<vmem>>
    %dma_wait3A_76 = arith.constant 336 : i32
    %dma_wait3A_77 = tpu.memref_slice %arg5[%dma_wait3A_76] : memref<672xi32, #tpu.memory_space<vmem>> -> memref<112xi32, #tpu.memory_space<vmem>>
    %dma_wait3A_78 = arith.constant 0 : i32
    %dma_wait3A_79 = arith.constant 0 : i32
    %dma_wait3A_80 = tpu.memref_slice %arg2[%dma_wait3A_78, %dma_wait3A_79] : memref<160000x128xf32, #tpu.memory_space<hbm>> -> memref<160000x128xf32, #tpu.memory_space<hbm>>
    tpu.wait_indirect_dma semaphore(%arg7 : memref<!tpu.dma_semaphore, #tpu.memory_space<semaphore_mem>>) src(%dma_wait3A_80 : memref<160000x128xf32, #tpu.memory_space<hbm>>) dst(%dma_wait3A_75 : memref<112x128xf32, #tpu.memory_space<vmem>>)
    %dma_wait3A_81 = arith.constant 448 : i32
    %dma_wait3A_82 = arith.constant 0 : i32
    %dma_wait3A_83 = tpu.memref_slice %arg6[%dma_wait3A_81, %dma_wait3A_82] : memref<672x128xf32, #tpu.memory_space<vmem>> -> memref<112x128xf32, #tpu.memory_space<vmem>>
    %dma_wait3A_84 = arith.constant 448 : i32
    %dma_wait3A_85 = tpu.memref_slice %arg5[%dma_wait3A_84] : memref<672xi32, #tpu.memory_space<vmem>> -> memref<112xi32, #tpu.memory_space<vmem>>
    %dma_wait3A_86 = arith.constant 0 : i32
    %dma_wait3A_87 = arith.constant 0 : i32
    %dma_wait3A_88 = tpu.memref_slice %arg2[%dma_wait3A_86, %dma_wait3A_87] : memref<160000x128xf32, #tpu.memory_space<hbm>> -> memref<160000x128xf32, #tpu.memory_space<hbm>>
    tpu.wait_indirect_dma semaphore(%arg7 : memref<!tpu.dma_semaphore, #tpu.memory_space<semaphore_mem>>) src(%dma_wait3A_88 : memref<160000x128xf32, #tpu.memory_space<hbm>>) dst(%dma_wait3A_83 : memref<112x128xf32, #tpu.memory_space<vmem>>)
    %dma_wait3A_89 = arith.constant 560 : i32
    %dma_wait3A_90 = arith.constant 0 : i32
    %dma_wait3A_91 = tpu.memref_slice %arg6[%dma_wait3A_89, %dma_wait3A_90] : memref<672x128xf32, #tpu.memory_space<vmem>> -> memref<112x128xf32, #tpu.memory_space<vmem>>
    %dma_wait3A_92 = arith.constant 560 : i32
    %dma_wait3A_93 = tpu.memref_slice %arg5[%dma_wait3A_92] : memref<672xi32, #tpu.memory_space<vmem>> -> memref<112xi32, #tpu.memory_space<vmem>>
    %dma_wait3A_94 = arith.constant 0 : i32
    %dma_wait3A_95 = arith.constant 0 : i32
    %dma_wait3A_96 = tpu.memref_slice %arg2[%dma_wait3A_94, %dma_wait3A_95] : memref<160000x128xf32, #tpu.memory_space<hbm>> -> memref<160000x128xf32, #tpu.memory_space<hbm>>
    tpu.wait_indirect_dma semaphore(%arg7 : memref<!tpu.dma_semaphore, #tpu.memory_space<semaphore_mem>>) src(%dma_wait3A_96 : memref<160000x128xf32, #tpu.memory_space<hbm>>) dst(%dma_wait3A_91 : memref<112x128xf32, #tpu.memory_space<vmem>>)
    "tpu.region"() ({
      %run_scoped3A = tpu.sem_alloc : memref<!tpu.dma_semaphore, #tpu.memory_space<semaphore_mem>>
      %dma_start3A_97 = arith.constant 0 : i32
      %dma_start3A_98 = tpu.memref_slice %arg4[%mul3A_2, %dma_start3A_97] : memref<21504x128xf32, #tpu.memory_space<hbm>> -> memref<672x128xf32, #tpu.memory_space<hbm>>
      %dma_start3A_99 = arith.constant 0 : i32
      %dma_start3A_100 = tpu.memref_slice %arg4[%mul3A_2, %dma_start3A_99] : memref<21504x128xf32, #tpu.memory_space<hbm>> -> memref<672x128xf32, #tpu.memory_space<hbm>>
      tpu.enqueue_dma source(%arg6 : memref<672x128xf32, #tpu.memory_space<vmem>>) target(%dma_start3A_100 : memref<672x128xf32, #tpu.memory_space<hbm>>) target_semaphore(%run_scoped3A : memref<!tpu.dma_semaphore, #tpu.memory_space<semaphore_mem>>)
      %dma_wait3A_101 = arith.constant 0 : i32
      %dma_wait3A_102 = tpu.memref_slice %arg4[%mul3A_2, %dma_wait3A_101] : memref<21504x128xf32, #tpu.memory_space<hbm>> -> memref<672x128xf32, #tpu.memory_space<hbm>>
      %dma_wait3A_103 = arith.constant 0 : i32
      %dma_wait3A_104 = tpu.memref_slice %arg4[%mul3A_2, %dma_wait3A_103] : memref<21504x128xf32, #tpu.memory_space<hbm>> -> memref<672x128xf32, #tpu.memory_space<hbm>>
      tpu.wait_dma2 semaphore(%run_scoped3A : memref<!tpu.dma_semaphore, #tpu.memory_space<semaphore_mem>>) src(%arg6 : memref<672x128xf32, #tpu.memory_space<vmem>>) dst(%dma_wait3A_104 : memref<672x128xf32, #tpu.memory_space<hbm>>)
      tpu.yield
    }) : () -> ()
    return
  }
}

#map = affine_map<(d0, d1) -> (0, 0)>
#map1 = affine_map<(d0, d1) -> (0)>
module attributes {stable_mosaic.version = 14 : i64} {
  func.func @k(%arg0: i32, %arg1: i32, %arg2: memref<160768x128xf32, #tpu.memory_space<hbm>>, %arg3: memref<21504xi32, #tpu.memory_space<hbm>>, %arg4: memref<21504x128xf32, #tpu.memory_space<hbm>>, %arg5: memref<672xi32, #tpu.memory_space<vmem>>, %arg6: memref<672x128xf32, #tpu.memory_space<vmem>>, %arg7: memref<!tpu.dma_semaphore, #tpu.memory_space<semaphore_mem>>) attributes {dimension_semantics = [#tpu.dimension_semantics<core_parallel>, #tpu.dimension_semantics<subcore_parallel>], iteration_bounds = array<i64: 2, 16>, scalar_prefetch = 0 : i64, scratch_operands = 3 : i64, tpu.core_type = #tpu.core_type<sc_vector_subcore>, window_params = [{transform_indices = #map}, {transform_indices = #map1}, {transform_indices = #map}]} {
    %mul3A = arith.constant 2 : i32
    %mul3A_0 = arith.muli %arg1, %mul3A : i32
    %add3A = arith.addi %mul3A_0, %arg0 : i32
    %mul3A_1 = arith.constant 672 : i32
    %mul3A_2 = arith.muli %add3A, %mul3A_1 : i32
    "tpu.region"() ({
      %run_scoped3A = tpu.sem_alloc : memref<!tpu.dma_semaphore, #tpu.memory_space<semaphore_mem>>
      %dma_start3A_97 = tpu.memref_slice %arg3[%mul3A_2] : memref<21504xi32, #tpu.memory_space<hbm>> -> memref<672xi32, #tpu.memory_space<hbm>>
      %dma_start3A_98 = tpu.memref_slice %arg3[%mul3A_2] : memref<21504xi32, #tpu.memory_space<hbm>> -> memref<672xi32, #tpu.memory_space<hbm>>
      tpu.enqueue_dma source(%dma_start3A_98 : memref<672xi32, #tpu.memory_space<hbm>>) target(%arg5 : memref<672xi32, #tpu.memory_space<vmem>>) target_semaphore(%run_scoped3A : memref<!tpu.dma_semaphore, #tpu.memory_space<semaphore_mem>>)
      %dma_wait3A_99 = tpu.memref_slice %arg3[%mul3A_2] : memref<21504xi32, #tpu.memory_space<hbm>> -> memref<672xi32, #tpu.memory_space<hbm>>
      %dma_wait3A_100 = tpu.memref_slice %arg3[%mul3A_2] : memref<21504xi32, #tpu.memory_space<hbm>> -> memref<672xi32, #tpu.memory_space<hbm>>
      tpu.wait_dma2 semaphore(%run_scoped3A : memref<!tpu.dma_semaphore, #tpu.memory_space<semaphore_mem>>) src(%dma_wait3A_100 : memref<672xi32, #tpu.memory_space<hbm>>) dst(%arg5 : memref<672xi32, #tpu.memory_space<vmem>>)
      tpu.yield
    }) : () -> ()
    %dma_start3A = arith.constant 0 : i32
    %dma_start3A_3 = arith.constant 0 : i32
    %dma_start3A_4 = tpu.memref_slice %arg6[%dma_start3A, %dma_start3A_3] : memref<672x128xf32, #tpu.memory_space<vmem>> -> memref<112x128xf32, #tpu.memory_space<vmem>>
    %dma_start3A_5 = arith.constant 0 : i32
    %dma_start3A_6 = tpu.memref_slice %arg5[%dma_start3A_5] : memref<672xi32, #tpu.memory_space<vmem>> -> memref<112xi32, #tpu.memory_space<vmem>>
    %dma_start3A_7 = arith.constant 0 : i32
    %dma_start3A_8 = arith.constant 0 : i32
    %dma_start3A_9 = tpu.memref_slice %arg2[%dma_start3A_7, %dma_start3A_8] : memref<160768x128xf32, #tpu.memory_space<hbm>> -> memref<160768x128xf32, #tpu.memory_space<hbm>>
    tpu.enqueue_indirect_dma source(%dma_start3A_9 : memref<160768x128xf32, #tpu.memory_space<hbm>>) target(%dma_start3A_4 : memref<112x128xf32, #tpu.memory_space<vmem>>) offsets(%dma_start3A_6 : memref<112xi32, #tpu.memory_space<vmem>>) semaphore(%arg7 : memref<!tpu.dma_semaphore, #tpu.memory_space<semaphore_mem>>)
    %dma_start3A_10 = arith.constant 112 : i32
    %dma_start3A_11 = arith.constant 0 : i32
    %dma_start3A_12 = tpu.memref_slice %arg6[%dma_start3A_10, %dma_start3A_11] : memref<672x128xf32, #tpu.memory_space<vmem>> -> memref<112x128xf32, #tpu.memory_space<vmem>>
    %dma_start3A_13 = arith.constant 112 : i32
    %dma_start3A_14 = tpu.memref_slice %arg5[%dma_start3A_13] : memref<672xi32, #tpu.memory_space<vmem>> -> memref<112xi32, #tpu.memory_space<vmem>>
    %dma_start3A_15 = arith.constant 0 : i32
    %dma_start3A_16 = arith.constant 0 : i32
    %dma_start3A_17 = tpu.memref_slice %arg2[%dma_start3A_15, %dma_start3A_16] : memref<160768x128xf32, #tpu.memory_space<hbm>> -> memref<160768x128xf32, #tpu.memory_space<hbm>>
    tpu.enqueue_indirect_dma source(%dma_start3A_17 : memref<160768x128xf32, #tpu.memory_space<hbm>>) target(%dma_start3A_12 : memref<112x128xf32, #tpu.memory_space<vmem>>) offsets(%dma_start3A_14 : memref<112xi32, #tpu.memory_space<vmem>>) semaphore(%arg7 : memref<!tpu.dma_semaphore, #tpu.memory_space<semaphore_mem>>)
    %dma_start3A_18 = arith.constant 224 : i32
    %dma_start3A_19 = arith.constant 0 : i32
    %dma_start3A_20 = tpu.memref_slice %arg6[%dma_start3A_18, %dma_start3A_19] : memref<672x128xf32, #tpu.memory_space<vmem>> -> memref<112x128xf32, #tpu.memory_space<vmem>>
    %dma_start3A_21 = arith.constant 224 : i32
    %dma_start3A_22 = tpu.memref_slice %arg5[%dma_start3A_21] : memref<672xi32, #tpu.memory_space<vmem>> -> memref<112xi32, #tpu.memory_space<vmem>>
    %dma_start3A_23 = arith.constant 0 : i32
    %dma_start3A_24 = arith.constant 0 : i32
    %dma_start3A_25 = tpu.memref_slice %arg2[%dma_start3A_23, %dma_start3A_24] : memref<160768x128xf32, #tpu.memory_space<hbm>> -> memref<160768x128xf32, #tpu.memory_space<hbm>>
    tpu.enqueue_indirect_dma source(%dma_start3A_25 : memref<160768x128xf32, #tpu.memory_space<hbm>>) target(%dma_start3A_20 : memref<112x128xf32, #tpu.memory_space<vmem>>) offsets(%dma_start3A_22 : memref<112xi32, #tpu.memory_space<vmem>>) semaphore(%arg7 : memref<!tpu.dma_semaphore, #tpu.memory_space<semaphore_mem>>)
    %dma_start3A_26 = arith.constant 336 : i32
    %dma_start3A_27 = arith.constant 0 : i32
    %dma_start3A_28 = tpu.memref_slice %arg6[%dma_start3A_26, %dma_start3A_27] : memref<672x128xf32, #tpu.memory_space<vmem>> -> memref<112x128xf32, #tpu.memory_space<vmem>>
    %dma_start3A_29 = arith.constant 336 : i32
    %dma_start3A_30 = tpu.memref_slice %arg5[%dma_start3A_29] : memref<672xi32, #tpu.memory_space<vmem>> -> memref<112xi32, #tpu.memory_space<vmem>>
    %dma_start3A_31 = arith.constant 0 : i32
    %dma_start3A_32 = arith.constant 0 : i32
    %dma_start3A_33 = tpu.memref_slice %arg2[%dma_start3A_31, %dma_start3A_32] : memref<160768x128xf32, #tpu.memory_space<hbm>> -> memref<160768x128xf32, #tpu.memory_space<hbm>>
    tpu.enqueue_indirect_dma source(%dma_start3A_33 : memref<160768x128xf32, #tpu.memory_space<hbm>>) target(%dma_start3A_28 : memref<112x128xf32, #tpu.memory_space<vmem>>) offsets(%dma_start3A_30 : memref<112xi32, #tpu.memory_space<vmem>>) semaphore(%arg7 : memref<!tpu.dma_semaphore, #tpu.memory_space<semaphore_mem>>)
    %dma_start3A_34 = arith.constant 448 : i32
    %dma_start3A_35 = arith.constant 0 : i32
    %dma_start3A_36 = tpu.memref_slice %arg6[%dma_start3A_34, %dma_start3A_35] : memref<672x128xf32, #tpu.memory_space<vmem>> -> memref<112x128xf32, #tpu.memory_space<vmem>>
    %dma_start3A_37 = arith.constant 448 : i32
    %dma_start3A_38 = tpu.memref_slice %arg5[%dma_start3A_37] : memref<672xi32, #tpu.memory_space<vmem>> -> memref<112xi32, #tpu.memory_space<vmem>>
    %dma_start3A_39 = arith.constant 0 : i32
    %dma_start3A_40 = arith.constant 0 : i32
    %dma_start3A_41 = tpu.memref_slice %arg2[%dma_start3A_39, %dma_start3A_40] : memref<160768x128xf32, #tpu.memory_space<hbm>> -> memref<160768x128xf32, #tpu.memory_space<hbm>>
    tpu.enqueue_indirect_dma source(%dma_start3A_41 : memref<160768x128xf32, #tpu.memory_space<hbm>>) target(%dma_start3A_36 : memref<112x128xf32, #tpu.memory_space<vmem>>) offsets(%dma_start3A_38 : memref<112xi32, #tpu.memory_space<vmem>>) semaphore(%arg7 : memref<!tpu.dma_semaphore, #tpu.memory_space<semaphore_mem>>)
    %dma_start3A_42 = arith.constant 560 : i32
    %dma_start3A_43 = arith.constant 0 : i32
    %dma_start3A_44 = tpu.memref_slice %arg6[%dma_start3A_42, %dma_start3A_43] : memref<672x128xf32, #tpu.memory_space<vmem>> -> memref<112x128xf32, #tpu.memory_space<vmem>>
    %dma_start3A_45 = arith.constant 560 : i32
    %dma_start3A_46 = tpu.memref_slice %arg5[%dma_start3A_45] : memref<672xi32, #tpu.memory_space<vmem>> -> memref<112xi32, #tpu.memory_space<vmem>>
    %dma_start3A_47 = arith.constant 0 : i32
    %dma_start3A_48 = arith.constant 0 : i32
    %dma_start3A_49 = tpu.memref_slice %arg2[%dma_start3A_47, %dma_start3A_48] : memref<160768x128xf32, #tpu.memory_space<hbm>> -> memref<160768x128xf32, #tpu.memory_space<hbm>>
    tpu.enqueue_indirect_dma source(%dma_start3A_49 : memref<160768x128xf32, #tpu.memory_space<hbm>>) target(%dma_start3A_44 : memref<112x128xf32, #tpu.memory_space<vmem>>) offsets(%dma_start3A_46 : memref<112xi32, #tpu.memory_space<vmem>>) semaphore(%arg7 : memref<!tpu.dma_semaphore, #tpu.memory_space<semaphore_mem>>)
    %dma_wait3A = arith.constant 0 : i32
    %dma_wait3A_50 = arith.constant 0 : i32
    %dma_wait3A_51 = tpu.memref_slice %arg6[%dma_wait3A, %dma_wait3A_50] : memref<672x128xf32, #tpu.memory_space<vmem>> -> memref<112x128xf32, #tpu.memory_space<vmem>>
    %dma_wait3A_52 = arith.constant 0 : i32
    %dma_wait3A_53 = tpu.memref_slice %arg5[%dma_wait3A_52] : memref<672xi32, #tpu.memory_space<vmem>> -> memref<112xi32, #tpu.memory_space<vmem>>
    %dma_wait3A_54 = arith.constant 0 : i32
    %dma_wait3A_55 = arith.constant 0 : i32
    %dma_wait3A_56 = tpu.memref_slice %arg2[%dma_wait3A_54, %dma_wait3A_55] : memref<160768x128xf32, #tpu.memory_space<hbm>> -> memref<160768x128xf32, #tpu.memory_space<hbm>>
    tpu.wait_indirect_dma semaphore(%arg7 : memref<!tpu.dma_semaphore, #tpu.memory_space<semaphore_mem>>) src(%dma_wait3A_56 : memref<160768x128xf32, #tpu.memory_space<hbm>>) dst(%dma_wait3A_51 : memref<112x128xf32, #tpu.memory_space<vmem>>)
    %dma_wait3A_57 = arith.constant 112 : i32
    %dma_wait3A_58 = arith.constant 0 : i32
    %dma_wait3A_59 = tpu.memref_slice %arg6[%dma_wait3A_57, %dma_wait3A_58] : memref<672x128xf32, #tpu.memory_space<vmem>> -> memref<112x128xf32, #tpu.memory_space<vmem>>
    %dma_wait3A_60 = arith.constant 112 : i32
    %dma_wait3A_61 = tpu.memref_slice %arg5[%dma_wait3A_60] : memref<672xi32, #tpu.memory_space<vmem>> -> memref<112xi32, #tpu.memory_space<vmem>>
    %dma_wait3A_62 = arith.constant 0 : i32
    %dma_wait3A_63 = arith.constant 0 : i32
    %dma_wait3A_64 = tpu.memref_slice %arg2[%dma_wait3A_62, %dma_wait3A_63] : memref<160768x128xf32, #tpu.memory_space<hbm>> -> memref<160768x128xf32, #tpu.memory_space<hbm>>
    tpu.wait_indirect_dma semaphore(%arg7 : memref<!tpu.dma_semaphore, #tpu.memory_space<semaphore_mem>>) src(%dma_wait3A_64 : memref<160768x128xf32, #tpu.memory_space<hbm>>) dst(%dma_wait3A_59 : memref<112x128xf32, #tpu.memory_space<vmem>>)
    %dma_wait3A_65 = arith.constant 224 : i32
    %dma_wait3A_66 = arith.constant 0 : i32
    %dma_wait3A_67 = tpu.memref_slice %arg6[%dma_wait3A_65, %dma_wait3A_66] : memref<672x128xf32, #tpu.memory_space<vmem>> -> memref<112x128xf32, #tpu.memory_space<vmem>>
    %dma_wait3A_68 = arith.constant 224 : i32
    %dma_wait3A_69 = tpu.memref_slice %arg5[%dma_wait3A_68] : memref<672xi32, #tpu.memory_space<vmem>> -> memref<112xi32, #tpu.memory_space<vmem>>
    %dma_wait3A_70 = arith.constant 0 : i32
    %dma_wait3A_71 = arith.constant 0 : i32
    %dma_wait3A_72 = tpu.memref_slice %arg2[%dma_wait3A_70, %dma_wait3A_71] : memref<160768x128xf32, #tpu.memory_space<hbm>> -> memref<160768x128xf32, #tpu.memory_space<hbm>>
    tpu.wait_indirect_dma semaphore(%arg7 : memref<!tpu.dma_semaphore, #tpu.memory_space<semaphore_mem>>) src(%dma_wait3A_72 : memref<160768x128xf32, #tpu.memory_space<hbm>>) dst(%dma_wait3A_67 : memref<112x128xf32, #tpu.memory_space<vmem>>)
    %dma_wait3A_73 = arith.constant 336 : i32
    %dma_wait3A_74 = arith.constant 0 : i32
    %dma_wait3A_75 = tpu.memref_slice %arg6[%dma_wait3A_73, %dma_wait3A_74] : memref<672x128xf32, #tpu.memory_space<vmem>> -> memref<112x128xf32, #tpu.memory_space<vmem>>
    %dma_wait3A_76 = arith.constant 336 : i32
    %dma_wait3A_77 = tpu.memref_slice %arg5[%dma_wait3A_76] : memref<672xi32, #tpu.memory_space<vmem>> -> memref<112xi32, #tpu.memory_space<vmem>>
    %dma_wait3A_78 = arith.constant 0 : i32
    %dma_wait3A_79 = arith.constant 0 : i32
    %dma_wait3A_80 = tpu.memref_slice %arg2[%dma_wait3A_78, %dma_wait3A_79] : memref<160768x128xf32, #tpu.memory_space<hbm>> -> memref<160768x128xf32, #tpu.memory_space<hbm>>
    tpu.wait_indirect_dma semaphore(%arg7 : memref<!tpu.dma_semaphore, #tpu.memory_space<semaphore_mem>>) src(%dma_wait3A_80 : memref<160768x128xf32, #tpu.memory_space<hbm>>) dst(%dma_wait3A_75 : memref<112x128xf32, #tpu.memory_space<vmem>>)
    %dma_wait3A_81 = arith.constant 448 : i32
    %dma_wait3A_82 = arith.constant 0 : i32
    %dma_wait3A_83 = tpu.memref_slice %arg6[%dma_wait3A_81, %dma_wait3A_82] : memref<672x128xf32, #tpu.memory_space<vmem>> -> memref<112x128xf32, #tpu.memory_space<vmem>>
    %dma_wait3A_84 = arith.constant 448 : i32
    %dma_wait3A_85 = tpu.memref_slice %arg5[%dma_wait3A_84] : memref<672xi32, #tpu.memory_space<vmem>> -> memref<112xi32, #tpu.memory_space<vmem>>
    %dma_wait3A_86 = arith.constant 0 : i32
    %dma_wait3A_87 = arith.constant 0 : i32
    %dma_wait3A_88 = tpu.memref_slice %arg2[%dma_wait3A_86, %dma_wait3A_87] : memref<160768x128xf32, #tpu.memory_space<hbm>> -> memref<160768x128xf32, #tpu.memory_space<hbm>>
    tpu.wait_indirect_dma semaphore(%arg7 : memref<!tpu.dma_semaphore, #tpu.memory_space<semaphore_mem>>) src(%dma_wait3A_88 : memref<160768x128xf32, #tpu.memory_space<hbm>>) dst(%dma_wait3A_83 : memref<112x128xf32, #tpu.memory_space<vmem>>)
    %dma_wait3A_89 = arith.constant 560 : i32
    %dma_wait3A_90 = arith.constant 0 : i32
    %dma_wait3A_91 = tpu.memref_slice %arg6[%dma_wait3A_89, %dma_wait3A_90] : memref<672x128xf32, #tpu.memory_space<vmem>> -> memref<112x128xf32, #tpu.memory_space<vmem>>
    %dma_wait3A_92 = arith.constant 560 : i32
    %dma_wait3A_93 = tpu.memref_slice %arg5[%dma_wait3A_92] : memref<672xi32, #tpu.memory_space<vmem>> -> memref<112xi32, #tpu.memory_space<vmem>>
    %dma_wait3A_94 = arith.constant 0 : i32
    %dma_wait3A_95 = arith.constant 0 : i32
    %dma_wait3A_96 = tpu.memref_slice %arg2[%dma_wait3A_94, %dma_wait3A_95] : memref<160768x128xf32, #tpu.memory_space<hbm>> -> memref<160768x128xf32, #tpu.memory_space<hbm>>
    tpu.wait_indirect_dma semaphore(%arg7 : memref<!tpu.dma_semaphore, #tpu.memory_space<semaphore_mem>>) src(%dma_wait3A_96 : memref<160768x128xf32, #tpu.memory_space<hbm>>) dst(%dma_wait3A_91 : memref<112x128xf32, #tpu.memory_space<vmem>>)
    "tpu.region"() ({
      %run_scoped3A = tpu.sem_alloc : memref<!tpu.dma_semaphore, #tpu.memory_space<semaphore_mem>>
      %dma_start3A_97 = arith.constant 0 : i32
      %dma_start3A_98 = tpu.memref_slice %arg4[%mul3A_2, %dma_start3A_97] : memref<21504x128xf32, #tpu.memory_space<hbm>> -> memref<672x128xf32, #tpu.memory_space<hbm>>
      %dma_start3A_99 = arith.constant 0 : i32
      %dma_start3A_100 = tpu.memref_slice %arg4[%mul3A_2, %dma_start3A_99] : memref<21504x128xf32, #tpu.memory_space<hbm>> -> memref<672x128xf32, #tpu.memory_space<hbm>>
      tpu.enqueue_dma source(%arg6 : memref<672x128xf32, #tpu.memory_space<vmem>>) target(%dma_start3A_100 : memref<672x128xf32, #tpu.memory_space<hbm>>) target_semaphore(%run_scoped3A : memref<!tpu.dma_semaphore, #tpu.memory_space<semaphore_mem>>)
      %dma_wait3A_101 = arith.constant 0 : i32
      %dma_wait3A_102 = tpu.memref_slice %arg4[%mul3A_2, %dma_wait3A_101] : memref<21504x128xf32, #tpu.memory_space<hbm>> -> memref<672x128xf32, #tpu.memory_space<hbm>>
      %dma_wait3A_103 = arith.constant 0 : i32
      %dma_wait3A_104 = tpu.memref_slice %arg4[%mul3A_2, %dma_wait3A_103] : memref<21504x128xf32, #tpu.memory_space<hbm>> -> memref<672x128xf32, #tpu.memory_space<hbm>>
      tpu.wait_dma2 semaphore(%run_scoped3A : memref<!tpu.dma_semaphore, #tpu.memory_space<semaphore_mem>>) src(%arg6 : memref<672x128xf32, #tpu.memory_space<vmem>>) dst(%dma_wait3A_104 : memref<672x128xf32, #tpu.memory_space<hbm>>)
      tpu.yield
    }) : () -> ()
    return
  }
}

#map = affine_map<(d0, d1) -> (0, 0)>
#map1 = affine_map<(d0, d1) -> (0)>
module attributes {stable_mosaic.version = 14 : i64} {
  func.func @k(%arg0: i32, %arg1: i32, %arg2: memref<20000x128xf32, #tpu.memory_space<hbm>>, %arg3: memref<1024xi32, #tpu.memory_space<hbm>>, %arg4: memref<1024x128xf32, #tpu.memory_space<hbm>>, %arg5: memref<32xi32, #tpu.memory_space<vmem>>, %arg6: memref<32x128xf32, #tpu.memory_space<vmem>>, %arg7: memref<!tpu.dma_semaphore, #tpu.memory_space<semaphore_mem>>) attributes {dimension_semantics = [#tpu.dimension_semantics<core_parallel>, #tpu.dimension_semantics<subcore_parallel>], iteration_bounds = array<i64: 2, 16>, scalar_prefetch = 0 : i64, scratch_operands = 3 : i64, tpu.core_type = #tpu.core_type<sc_vector_subcore>, window_params = [{transform_indices = #map}, {transform_indices = #map1}, {transform_indices = #map}]} {
    %mul3A = arith.constant 2 : i32
    %mul3A_0 = arith.muli %arg1, %mul3A : i32
    %add3A = arith.addi %mul3A_0, %arg0 : i32
    %mul3A_1 = arith.constant 32 : i32
    %mul3A_2 = arith.muli %add3A, %mul3A_1 : i32
    "tpu.region"() ({
      %run_scoped3A = tpu.sem_alloc : memref<!tpu.dma_semaphore, #tpu.memory_space<semaphore_mem>>
      %dma_start3A_7 = tpu.memref_slice %arg3[%mul3A_2] : memref<1024xi32, #tpu.memory_space<hbm>> -> memref<32xi32, #tpu.memory_space<hbm>>
      %dma_start3A_8 = tpu.memref_slice %arg3[%mul3A_2] : memref<1024xi32, #tpu.memory_space<hbm>> -> memref<32xi32, #tpu.memory_space<hbm>>
      tpu.enqueue_dma source(%dma_start3A_8 : memref<32xi32, #tpu.memory_space<hbm>>) target(%arg5 : memref<32xi32, #tpu.memory_space<vmem>>) target_semaphore(%run_scoped3A : memref<!tpu.dma_semaphore, #tpu.memory_space<semaphore_mem>>)
      %dma_wait3A_9 = tpu.memref_slice %arg3[%mul3A_2] : memref<1024xi32, #tpu.memory_space<hbm>> -> memref<32xi32, #tpu.memory_space<hbm>>
      %dma_wait3A_10 = tpu.memref_slice %arg3[%mul3A_2] : memref<1024xi32, #tpu.memory_space<hbm>> -> memref<32xi32, #tpu.memory_space<hbm>>
      tpu.wait_dma2 semaphore(%run_scoped3A : memref<!tpu.dma_semaphore, #tpu.memory_space<semaphore_mem>>) src(%dma_wait3A_10 : memref<32xi32, #tpu.memory_space<hbm>>) dst(%arg5 : memref<32xi32, #tpu.memory_space<vmem>>)
      tpu.yield
    }) : () -> ()
    %dma_start3A = arith.constant 0 : i32
    %dma_start3A_3 = arith.constant 0 : i32
    %dma_start3A_4 = tpu.memref_slice %arg2[%dma_start3A, %dma_start3A_3] : memref<20000x128xf32, #tpu.memory_space<hbm>> -> memref<20000x128xf32, #tpu.memory_space<hbm>>
    tpu.enqueue_indirect_dma source(%dma_start3A_4 : memref<20000x128xf32, #tpu.memory_space<hbm>>) target(%arg6 : memref<32x128xf32, #tpu.memory_space<vmem>>) offsets(%arg5 : memref<32xi32, #tpu.memory_space<vmem>>) semaphore(%arg7 : memref<!tpu.dma_semaphore, #tpu.memory_space<semaphore_mem>>)
    %dma_wait3A = arith.constant 0 : i32
    %dma_wait3A_5 = arith.constant 0 : i32
    %dma_wait3A_6 = tpu.memref_slice %arg2[%dma_wait3A, %dma_wait3A_5] : memref<20000x128xf32, #tpu.memory_space<hbm>> -> memref<20000x128xf32, #tpu.memory_space<hbm>>
    tpu.wait_indirect_dma semaphore(%arg7 : memref<!tpu.dma_semaphore, #tpu.memory_space<semaphore_mem>>) src(%dma_wait3A_6 : memref<20000x128xf32, #tpu.memory_space<hbm>>) dst(%arg6 : memref<32x128xf32, #tpu.memory_space<vmem>>)
    "tpu.region"() ({
      %run_scoped3A = tpu.sem_alloc : memref<!tpu.dma_semaphore, #tpu.memory_space<semaphore_mem>>
      %dma_start3A_7 = arith.constant 0 : i32
      %dma_start3A_8 = tpu.memref_slice %arg4[%mul3A_2, %dma_start3A_7] : memref<1024x128xf32, #tpu.memory_space<hbm>> -> memref<32x128xf32, #tpu.memory_space<hbm>>
      %dma_start3A_9 = arith.constant 0 : i32
      %dma_start3A_10 = tpu.memref_slice %arg4[%mul3A_2, %dma_start3A_9] : memref<1024x128xf32, #tpu.memory_space<hbm>> -> memref<32x128xf32, #tpu.memory_space<hbm>>
      tpu.enqueue_dma source(%arg6 : memref<32x128xf32, #tpu.memory_space<vmem>>) target(%dma_start3A_10 : memref<32x128xf32, #tpu.memory_space<hbm>>) target_semaphore(%run_scoped3A : memref<!tpu.dma_semaphore, #tpu.memory_space<semaphore_mem>>)
      %dma_wait3A_11 = arith.constant 0 : i32
      %dma_wait3A_12 = tpu.memref_slice %arg4[%mul3A_2, %dma_wait3A_11] : memref<1024x128xf32, #tpu.memory_space<hbm>> -> memref<32x128xf32, #tpu.memory_space<hbm>>
      %dma_wait3A_13 = arith.constant 0 : i32
      %dma_wait3A_14 = tpu.memref_slice %arg4[%mul3A_2, %dma_wait3A_13] : memref<1024x128xf32, #tpu.memory_space<hbm>> -> memref<32x128xf32, #tpu.memory_space<hbm>>
      tpu.wait_dma2 semaphore(%run_scoped3A : memref<!tpu.dma_semaphore, #tpu.memory_space<semaphore_mem>>) src(%arg6 : memref<32x128xf32, #tpu.memory_space<vmem>>) dst(%dma_wait3A_14 : memref<32x128xf32, #tpu.memory_space<hbm>>)
      tpu.yield
    }) : () -> ()
    return
  }
}

module attributes {stable_mosaic.version = 14 : i64} {
  func.func @_phase1_body(%arg0: i32, %arg1: memref<128x128xf32, #tpu.memory_space<vmem>>, %arg2: memref<128x20096xf32, #tpu.memory_space<vmem>>, %arg3: memref<128x20096xf32, #tpu.memory_space<vmem>>, %arg4: memref<128x21xi32, #tpu.memory_space<vmem>>) attributes {dimension_semantics = [#tpu.dimension_semantics<arbitrary>], iteration_bounds = array<i64: 8>, scalar_prefetch = 0 : i64, scratch_operands = 0 : i64, tpu.core_type = #tpu.core_type<tc>, window_params = [{transform_indices = @transform_0, window_bounds = array<i64: 128, 128>}, {pipeline_mode = #tpu.pipeline_mode<synchronous>, transform_indices = @transform_1, window_bounds = array<i64: 128, 20096>}, {transform_indices = @transform_2, window_bounds = array<i64: 128, 20096>}, {transform_indices = @transform_3, window_bounds = array<i64: 128, 21>}]} {
    %get3A = arith.constant 0 : index
    %get3A_0 = arith.constant 0 : index
    %get3A_1 = vector.load %arg1[%get3A, %get3A_0] : memref<128x128xf32, #tpu.memory_space<vmem>>, vector<128x128xf32>
    %get3A_2 = arith.constant 0 : index
    %get3A_3 = arith.constant 0 : index
    %get3A_4 = vector.load %arg2[%get3A_2, %get3A_3] : memref<128x20096xf32, #tpu.memory_space<vmem>>, vector<128x20096xf32>
    %dot_general3A = arith.constant dense<0.000000e+00> : vector<128x20096xf32>
    %dot_general3A_5 = tpu.matmul %get3A_1, %get3A_4, %dot_general3A {dimension_numbers = #tpu.dot_dimension_numbers<[1], [0], [0], [1], [0, 0, 1, 1], [], []>, transpose_lhs_hint = false} : vector<128x128xf32>, vector<128x20096xf32>, vector<128x20096xf32> -> vector<128x20096xf32>
    %mul3A = arith.mulf %get3A_1, %get3A_1 : vector<128x128xf32>
    %reduce_sum3A = arith.constant dense<0.000000e+00> : vector<128xf32>
    %reduce_sum3A_6 = vector.multi_reduction <add>, %mul3A, %reduce_sum3A [1] : vector<128x128xf32> to vector<128xf32>
    %broadcast_in_dim3A = vector.shape_cast %reduce_sum3A_6 : vector<128xf32> to vector<128x1xf32>
    %mul3A_7 = arith.mulf %get3A_4, %get3A_4 : vector<128x20096xf32>
    %reduce_sum3A_8 = arith.constant dense<0.000000e+00> : vector<20096xf32>
    %reduce_sum3A_9 = vector.multi_reduction <add>, %mul3A_7, %reduce_sum3A_8 [0] : vector<128x20096xf32> to vector<20096xf32>
    %broadcast_in_dim3A_10 = vector.shape_cast %reduce_sum3A_9 : vector<20096xf32> to vector<1x20096xf32>
    %iota3A = tpu.iota {dimensions = array<i32: 1>} : vector<128x20096xi32>
    %lt3A = arith.constant 20000 : i32
    %lt3A_11 = vector.broadcast %lt3A : i32 to vector<128x20096xi32>
    %lt3A_12 = arith.cmpi slt, %iota3A, %lt3A_11 : vector<128x20096xi32>
    %add3A = vector.broadcast %broadcast_in_dim3A : vector<128x1xf32> to vector<128x20096xf32>
    %add3A_13 = vector.broadcast %broadcast_in_dim3A_10 : vector<1x20096xf32> to vector<128x20096xf32>
    %add3A_14 = arith.addf %add3A, %add3A_13 : vector<128x20096xf32>
    %mul3A_15 = arith.constant 2.000000e+00 : f32
    %mul3A_16 = vector.broadcast %mul3A_15 : f32 to vector<128x20096xf32>
    %mul3A_17 = arith.mulf %mul3A_16, %dot_general3A_5 : vector<128x20096xf32>
    %sub3A = arith.subf %add3A_14, %mul3A_17 : vector<128x20096xf32>
    %jit3A = arith.constant 9.99999996E-13 : f32
    %max3A = vector.broadcast %jit3A : f32 to vector<128x20096xf32>
    %max3A_18 = arith.maximumf %max3A, %sub3A : vector<128x20096xf32>
    %jit3A_19 = arith.constant 3.000000e+38 : f32
    %broadcast_in_dim3A_20 = vector.broadcast %jit3A_19 : f32 to vector<128x20096xf32>
    %select_n3A = arith.select %lt3A_12, %max3A_18, %broadcast_in_dim3A_20 : vector<128x20096xi1>, vector<128x20096xf32>
    %swap3A = arith.constant 0 : index
    %swap3A_21 = arith.constant 0 : index
    %swap3A_22 = vector.load %arg3[%swap3A, %swap3A_21] : memref<128x20096xf32, #tpu.memory_space<vmem>>, vector<128x20096xf32>
    tpu.vector_store %arg3[%swap3A, %swap3A_21], %select_n3A {strides = array<i32>} : memref<128x20096xf32, #tpu.memory_space<vmem>>, vector<128x20096xf32>,
    %reshape3A = vector.shape_cast %select_n3A : vector<128x20096xf32> to vector<128x157x128xf32>
    %neg3A = arith.constant 0.000000e+00 : f32
    %neg3A_23 = vector.broadcast %neg3A : f32 to vector<128x157x128xf32>
    %neg3A_24 = arith.subf %neg3A_23, %reshape3A : vector<128x157x128xf32>
    %reduce_max3A = arith.constant dense<0xFF800000> : vector<128x157xf32>
    %reduce_max3A_25 = vector.multi_reduction <maximumf>, %neg3A_24, %reduce_max3A [2] : vector<128x157x128xf32> to vector<128x157xf32>
    %iota3A_26 = tpu.iota {dimensions = array<i32: 1>} : vector<128x157xi32>
    %iota3A_27 = tpu.iota {dimensions = array<i32: 1>} : vector<128x21xi32>
    %mul3A_28 = arith.constant 128 : i32
    %mul3A_29 = arith.muli %arg0, %mul3A_28 : i32
    %iota3A_30 = tpu.iota {dimensions = array<i32: 0>} : vector<128x1xi32>
    %add3A_31 = vector.broadcast %mul3A_29 : i32 to vector<128x1xi32>
    %add3A_32 = arith.addi %add3A_31, %iota3A_30 : vector<128x1xi32>
    %mul3A_33 = arith.constant 157 : i32
    %mul3A_34 = vector.broadcast %mul3A_33 : i32 to vector<128x1xi32>
    %mul3A_35 = arith.muli %add3A_32, %mul3A_34 : vector<128x1xi32>
    %broadcast_in_dim3A_36 = arith.constant 0 : i32
    %broadcast_in_dim3A_37 = vector.broadcast %broadcast_in_dim3A_36 : i32 to vector<128x21xi32>
    %scan3A = arith.constant 0 : i32
    %scan3A_38 = arith.constant 21 : i32
    %scan3A_39 = arith.addi %scan3A, %scan3A_38 : i32
    %scan3A_40 = arith.constant 1 : i32
    %scan3A_41:2 = scf.for %scan3A_46 = %scan3A to %scan3A_39 step %scan3A_40 iter_args(%scan3A_47 = %reduce_max3A_25, %scan3A_48 = %broadcast_in_dim3A_37) -> (vector<128x157xf32>, vector<128x21xi32>)  : i32 {
      %reduce_max3A_49 = arith.constant dense<0xFF800000> : vector<128xf32>
      %reduce_max3A_50 = vector.multi_reduction <maximumf>, %scan3A_47, %reduce_max3A_49 [1] : vector<128x157xf32> to vector<128xf32>
      %broadcast_in_dim3A_51 = vector.shape_cast %reduce_max3A_50 : vector<128xf32> to vector<128x1xf32>
      %ge3A = vector.broadcast %broadcast_in_dim3A_51 : vector<128x1xf32> to vector<128x157xf32>
      %ge3A_52 = arith.cmpf oge, %scan3A_47, %ge3A : vector<128x157xf32>
      %jit3A_53 = arith.constant -1 : i32
      %broadcast_in_dim3A_54 = vector.broadcast %jit3A_53 : i32 to vector<128x157xi32>
      %select_n3A_55 = arith.select %ge3A_52, %iota3A_26, %broadcast_in_dim3A_54 : vector<128x157xi1>, vector<128x157xi32>
      %reduce_max3A_56 = arith.constant dense<-2147483648> : vector<128xi32>
      %reduce_max3A_57 = vector.multi_reduction <maxsi>, %select_n3A_55, %reduce_max3A_56 [1] : vector<128x157xi32> to vector<128xi32>
      %broadcast_in_dim3A_58 = vector.shape_cast %reduce_max3A_57 : vector<128xi32> to vector<128x1xi32>
      %eq3A = vector.broadcast %broadcast_in_dim3A_58 : vector<128x1xi32> to vector<128x157xi32>
      %eq3A_59 = arith.cmpi eq, %iota3A_26, %eq3A : vector<128x157xi32>
      %neg3A_60 = arith.constant 0.000000e+00 : f32
      %neg3A_61 = arith.constant 3.300000e+38 : f32
      %neg3A_62 = arith.subf %neg3A_60, %neg3A_61 : f32
      %broadcast_in_dim3A_63 = vector.broadcast %neg3A_62 : f32 to vector<128x157xf32>
      %select_n3A_64 = arith.select %eq3A_59, %broadcast_in_dim3A_63, %scan3A_47 : vector<128x157xi1>, vector<128x157xf32>
      %eq3A_65 = vector.broadcast %scan3A_46 : i32 to vector<128x21xi32>
      %eq3A_66 = arith.cmpi eq, %iota3A_27, %eq3A_65 : vector<128x21xi32>
      %add3A_67 = arith.addi %mul3A_35, %broadcast_in_dim3A_58 : vector<128x1xi32>
      %broadcast_in_dim3A_68 = vector.shape_cast %add3A_67 : vector<128x1xi32> to vector<128x1xi32>
      %broadcast_in_dim3A_69 = vector.broadcast %broadcast_in_dim3A_68 : vector<128x1xi32> to vector<128x21xi32>
      %select_n3A_70 = arith.select %eq3A_66, %broadcast_in_dim3A_69, %scan3A_48 : vector<128x21xi1>, vector<128x21xi32>
      scf.yield %select_n3A_64, %select_n3A_70 : vector<128x157xf32>, vector<128x21xi32>
    }
    %scan3A_42 = arith.constant 21 : i32
    %swap3A_43 = arith.constant 0 : index
    %swap3A_44 = arith.constant 0 : index
    %swap3A_45 = vector.load %arg4[%swap3A_43, %swap3A_44] : memref<128x21xi32, #tpu.memory_space<vmem>>, vector<128x21xi32>
    tpu.vector_store %arg4[%swap3A_43, %swap3A_44], %scan3A_41#1 {strides = array<i32>} : memref<128x21xi32, #tpu.memory_space<vmem>>, vector<128x21xi32>,
    return
  }
  func.func @transform_0(%arg0: i32) -> (i32, i32) {
    %c0_i32 = arith.constant 0 : i32
    %c0_i32_0 = arith.constant 0 : i32
    return %arg0, %c0_i32 : i32, i32
  }
  func.func @transform_1(%arg0: i32) -> (i32, i32) {
    %c0_i32 = arith.constant 0 : i32
    %c0_i32_0 = arith.constant 0 : i32
    %c0_i32_1 = arith.constant 0 : i32
    return %c0_i32, %c0_i32_0 : i32, i32
  }
  func.func @transform_2(%arg0: i32) -> (i32, i32) {
    %c0_i32 = arith.constant 0 : i32
    %c0_i32_0 = arith.constant 0 : i32
    return %arg0, %c0_i32 : i32, i32
  }
  func.func @transform_3(%arg0: i32) -> (i32, i32) {
    %c0_i32 = arith.constant 0 : i32
    %c0_i32_0 = arith.constant 0 : i32
    return %arg0, %c0_i32 : i32, i32
  }
}

module attributes {stable_mosaic.version = 14 : i64} {
  func.func @_phase2_body(%arg0: i32, %arg1: memref<128x2688xf32, #tpu.memory_space<vmem>>, %arg2: memref<128x21xi32, #tpu.memory_space<vmem>>, %arg3: memref<128x21xf32, #tpu.memory_space<vmem>>, %arg4: memref<128x21xi32, #tpu.memory_space<vmem>>, %arg5: memref<128x2688xf32, #tpu.memory_space<vmem>>) attributes {dimension_semantics = [#tpu.dimension_semantics<arbitrary>], iteration_bounds = array<i64: 8>, scalar_prefetch = 0 : i64, scratch_operands = 1 : i64, tpu.core_type = #tpu.core_type<tc>, window_params = [{transform_indices = @transform_0, window_bounds = array<i64: 128, 2688>}, {transform_indices = @transform_1, window_bounds = array<i64: 128, 21>}, {transform_indices = @transform_2, window_bounds = array<i64: 128, 21>}, {transform_indices = @transform_3, window_bounds = array<i64: 128, 21>}]} {
    %get3A = arith.constant 0 : index
    %get3A_0 = arith.constant 0 : index
    %get3A_1 = vector.load %arg1[%get3A, %get3A_0] : memref<128x2688xf32, #tpu.memory_space<vmem>>, vector<128x2688xf32>
    %neg3A = arith.constant 0.000000e+00 : f32
    %neg3A_2 = vector.broadcast %neg3A : f32 to vector<128x2688xf32>
    %neg3A_3 = arith.subf %neg3A_2, %get3A_1 : vector<128x2688xf32>
    %swap3A = arith.constant 0 : index
    %swap3A_4 = arith.constant 0 : index
    %swap3A_5 = vector.load %arg5[%swap3A, %swap3A_4] : memref<128x2688xf32, #tpu.memory_space<vmem>>, vector<128x2688xf32>
    tpu.vector_store %arg5[%swap3A, %swap3A_4], %neg3A_3 {strides = array<i32>} : memref<128x2688xf32, #tpu.memory_space<vmem>>, vector<128x2688xf32>,
    %iota3A = tpu.iota {dimensions = array<i32: 1>} : vector<128x2688xi32>
    %iota3A_6 = tpu.iota {dimensions = array<i32: 1>} : vector<128x21xi32>
    %iota3A_7 = tpu.iota {dimensions = array<i32: 0>} : vector<128x1xi32>
    %get3A_8 = arith.constant 0 : index
    %get3A_9 = arith.constant 0 : index
    %get3A_10 = vector.load %arg2[%get3A_8, %get3A_9] : memref<128x21xi32, #tpu.memory_space<vmem>>, vector<128x21xi32>
    %mul3A = arith.constant 128 : i32
    %mul3A_11 = arith.muli %arg0, %mul3A : i32
    %add3A = vector.broadcast %mul3A_11 : i32 to vector<128x1xi32>
    %add3A_12 = arith.addi %add3A, %iota3A_7 : vector<128x1xi32>
    %mul3A_13 = arith.constant 157 : i32
    %mul3A_14 = vector.broadcast %mul3A_13 : i32 to vector<128x1xi32>
    %mul3A_15 = arith.muli %add3A_12, %mul3A_14 : vector<128x1xi32>
    %sub3A = vector.broadcast %mul3A_15 : vector<128x1xi32> to vector<128x21xi32>
    %sub3A_16 = arith.subi %get3A_10, %sub3A : vector<128x21xi32>
    %get3A_17 = arith.constant 0 : index
    %get3A_18 = arith.constant 0 : index
    %get3A_19 = vector.load %arg5[%get3A_17, %get3A_18] : memref<128x2688xf32, #tpu.memory_space<vmem>>, vector<128x2688xf32>
    %reduce_max3A = arith.constant dense<0xFF800000> : vector<128xf32>
    %reduce_max3A_20 = vector.multi_reduction <maximumf>, %get3A_19, %reduce_max3A [1] : vector<128x2688xf32> to vector<128xf32>
    %broadcast_in_dim3A = vector.shape_cast %reduce_max3A_20 : vector<128xf32> to vector<128x1xf32>
    %broadcast_in_dim3A_21 = arith.constant 0.000000e+00 : f32
    %broadcast_in_dim3A_22 = vector.broadcast %broadcast_in_dim3A_21 : f32 to vector<128x21xf32>
    %broadcast_in_dim3A_23 = arith.constant 0 : i32
    %broadcast_in_dim3A_24 = vector.broadcast %broadcast_in_dim3A_23 : i32 to vector<128x21xi32>
    %scan3A = arith.constant 0 : i32
    %scan3A_25 = arith.constant 21 : i32
    %scan3A_26 = arith.addi %scan3A, %scan3A_25 : i32
    %scan3A_27 = arith.constant 1 : i32
    %scan3A_28:3 = scf.for %scan3A_45 = %scan3A to %scan3A_26 step %scan3A_27 iter_args(%scan3A_46 = %broadcast_in_dim3A, %scan3A_47 = %broadcast_in_dim3A_22, %scan3A_48 = %broadcast_in_dim3A_24) -> (vector<128x1xf32>, vector<128x21xf32>, vector<128x21xi32>)  : i32 {
      %get3A_49 = arith.constant 0 : index
      %get3A_50 = arith.constant 0 : index
      %get3A_51 = vector.load %arg5[%get3A_49, %get3A_50] : memref<128x2688xf32, #tpu.memory_space<vmem>>, vector<128x2688xf32>
      %ge3A = vector.broadcast %scan3A_46 : vector<128x1xf32> to vector<128x2688xf32>
      %ge3A_52 = arith.cmpf oge, %get3A_51, %ge3A : vector<128x2688xf32>
      %jit3A = arith.constant -1 : i32
      %broadcast_in_dim3A_53 = vector.broadcast %jit3A : i32 to vector<128x2688xi32>
      %select_n3A = arith.select %ge3A_52, %iota3A, %broadcast_in_dim3A_53 : vector<128x2688xi1>, vector<128x2688xi32>
      %reduce_max3A_54 = arith.constant dense<-2147483648> : vector<128xi32>
      %reduce_max3A_55 = vector.multi_reduction <maxsi>, %select_n3A, %reduce_max3A_54 [1] : vector<128x2688xi32> to vector<128xi32>
      %broadcast_in_dim3A_56 = vector.shape_cast %reduce_max3A_55 : vector<128xi32> to vector<128x1xi32>
      %eq3A = vector.broadcast %broadcast_in_dim3A_56 : vector<128x1xi32> to vector<128x2688xi32>
      %eq3A_57 = arith.cmpi eq, %iota3A, %eq3A : vector<128x2688xi32>
      %neg3A_58 = arith.constant 0.000000e+00 : f32
      %neg3A_59 = arith.constant 3.300000e+38 : f32
      %neg3A_60 = arith.subf %neg3A_58, %neg3A_59 : f32
      %broadcast_in_dim3A_61 = vector.broadcast %neg3A_60 : f32 to vector<128x2688xf32>
      %select_n3A_62 = arith.select %eq3A_57, %broadcast_in_dim3A_61, %get3A_51 : vector<128x2688xi1>, vector<128x2688xf32>
      %swap3A_63 = arith.constant 0 : index
      %swap3A_64 = arith.constant 0 : index
      %swap3A_65 = vector.load %arg5[%swap3A_63, %swap3A_64] : memref<128x2688xf32, #tpu.memory_space<vmem>>, vector<128x2688xf32>
      tpu.vector_store %arg5[%swap3A_63, %swap3A_64], %select_n3A_62 {strides = array<i32>} : memref<128x2688xf32, #tpu.memory_space<vmem>>, vector<128x2688xf32>,
      %reduce_max3A_66 = arith.constant dense<0xFF800000> : vector<128xf32>
      %reduce_max3A_67 = vector.multi_reduction <maximumf>, %select_n3A_62, %reduce_max3A_66 [1] : vector<128x2688xf32> to vector<128xf32>
      %broadcast_in_dim3A_68 = vector.shape_cast %reduce_max3A_67 : vector<128xf32> to vector<128x1xf32>
      %jit3A_69 = arith.constant 128 : i32
      %div3A = vector.broadcast %jit3A_69 : i32 to vector<128x1xi32>
      %div3A_70 = arith.divsi %broadcast_in_dim3A_56, %div3A : vector<128x1xi32>
      %sign3A = arith.constant 0 : i32
      %sign3A_71 = vector.broadcast %sign3A : i32 to vector<128x1xi32>
      %sign3A_72 = arith.cmpi sgt, %broadcast_in_dim3A_56, %sign3A_71 : vector<128x1xi32>
      %sign3A_73 = arith.extui %sign3A_72 : vector<128x1xi1> to vector<128x1xi32>
      %sign3A_74 = arith.constant 0 : i32
      %sign3A_75 = vector.broadcast %sign3A_74 : i32 to vector<128x1xi32>
      %sign3A_76 = arith.cmpi slt, %broadcast_in_dim3A_56, %sign3A_75 : vector<128x1xi32>
      %sign3A_77 = arith.extui %sign3A_76 : vector<128x1xi1> to vector<128x1xi32>
      %sign3A_78 = arith.subi %sign3A_73, %sign3A_77 : vector<128x1xi32>
      %sign3A_79 = arith.constant 0 : i32
      %sign3A_80 = arith.cmpi sgt, %jit3A_69, %sign3A_79 : i32
      %sign3A_81 = arith.extui %sign3A_80 : i1 to i32
      %sign3A_82 = arith.constant 0 : i32
      %sign3A_83 = arith.cmpi slt, %jit3A_69, %sign3A_82 : i32
      %sign3A_84 = arith.extui %sign3A_83 : i1 to i32
      %sign3A_85 = arith.subi %sign3A_81, %sign3A_84 : i32
      %ne3A = vector.broadcast %sign3A_85 : i32 to vector<128x1xi32>
      %ne3A_86 = arith.cmpi ne, %sign3A_78, %ne3A : vector<128x1xi32>
      %rem3A = vector.broadcast %jit3A_69 : i32 to vector<128x1xi32>
      %rem3A_87 = arith.remsi %broadcast_in_dim3A_56, %rem3A : vector<128x1xi32>
      %ne3A_88 = arith.constant 0 : i32
      %ne3A_89 = vector.broadcast %ne3A_88 : i32 to vector<128x1xi32>
      %ne3A_90 = arith.cmpi ne, %rem3A_87, %ne3A_89 : vector<128x1xi32>
      %and3A = arith.andi %ne3A_86, %ne3A_90 : vector<128x1xi1>
      %sub3A_91 = arith.constant 1 : i32
      %sub3A_92 = vector.broadcast %sub3A_91 : i32 to vector<128x1xi32>
      %sub3A_93 = arith.subi %div3A_70, %sub3A_92 : vector<128x1xi32>
      %select_n3A_94 = arith.select %and3A, %sub3A_93, %div3A_70 : vector<128x1xi1>, vector<128x1xi32>
      %mul3A_95 = arith.constant 128 : i32
      %mul3A_96 = vector.broadcast %mul3A_95 : i32 to vector<128x1xi32>
      %mul3A_97 = arith.muli %select_n3A_94, %mul3A_96 : vector<128x1xi32>
      %sub3A_98 = arith.subi %broadcast_in_dim3A_56, %mul3A_97 : vector<128x1xi32>
      %eq3A_99 = vector.broadcast %select_n3A_94 : vector<128x1xi32> to vector<128x21xi32>
      %eq3A_100 = arith.cmpi eq, %iota3A_6, %eq3A_99 : vector<128x21xi32>
      %jit3A_101 = arith.constant 0 : i32
      %broadcast_in_dim3A_102 = vector.broadcast %jit3A_101 : i32 to vector<128x21xi32>
      %select_n3A_103 = arith.select %eq3A_100, %sub3A_16, %broadcast_in_dim3A_102 : vector<128x21xi1>, vector<128x21xi32>
      %reduce_sum3A = arith.constant dense<0> : vector<128xi32>
      %reduce_sum3A_104 = vector.multi_reduction <add>, %select_n3A_103, %reduce_sum3A [1] : vector<128x21xi32> to vector<128xi32>
      %broadcast_in_dim3A_105 = vector.shape_cast %reduce_sum3A_104 : vector<128xi32> to vector<128x1xi32>
      %mul3A_106 = arith.constant 128 : i32
      %mul3A_107 = vector.broadcast %mul3A_106 : i32 to vector<128x1xi32>
      %mul3A_108 = arith.muli %broadcast_in_dim3A_105, %mul3A_107 : vector<128x1xi32>
      %add3A_109 = arith.addi %mul3A_108, %sub3A_98 : vector<128x1xi32>
      %eq3A_110 = vector.broadcast %scan3A_45 : i32 to vector<128x21xi32>
      %eq3A_111 = arith.cmpi eq, %iota3A_6, %eq3A_110 : vector<128x21xi32>
      %neg3A_112 = arith.constant 0.000000e+00 : f32
      %neg3A_113 = vector.broadcast %neg3A_112 : f32 to vector<128x1xf32>
      %neg3A_114 = arith.subf %neg3A_113, %scan3A_46 : vector<128x1xf32>
      %broadcast_in_dim3A_115 = vector.shape_cast %neg3A_114 : vector<128x1xf32> to vector<128x1xf32>
      %broadcast_in_dim3A_116 = vector.broadcast %broadcast_in_dim3A_115 : vector<128x1xf32> to vector<128x21xf32>
      %select_n3A_117 = arith.select %eq3A_111, %broadcast_in_dim3A_116, %scan3A_47 : vector<128x21xi1>, vector<128x21xf32>
      %eq3A_118 = vector.broadcast %scan3A_45 : i32 to vector<128x21xi32>
      %eq3A_119 = arith.cmpi eq, %iota3A_6, %eq3A_118 : vector<128x21xi32>
      %broadcast_in_dim3A_120 = vector.shape_cast %add3A_109 : vector<128x1xi32> to vector<128x1xi32>
      %broadcast_in_dim3A_121 = vector.broadcast %broadcast_in_dim3A_120 : vector<128x1xi32> to vector<128x21xi32>
      %select_n3A_122 = arith.select %eq3A_119, %broadcast_in_dim3A_121, %scan3A_48 : vector<128x21xi1>, vector<128x21xi32>
      scf.yield %broadcast_in_dim3A_68, %select_n3A_117, %select_n3A_122 : vector<128x1xf32>, vector<128x21xf32>, vector<128x21xi32>
    }
    %scan3A_29 = arith.constant 21 : i32
    %swap3A_30 = arith.constant 0 : index
    %swap3A_31 = arith.constant 0 : index
    %swap3A_32 = vector.load %arg3[%swap3A_30, %swap3A_31] : memref<128x21xf32, #tpu.memory_space<vmem>>, vector<128x21xf32>
    tpu.vector_store %arg3[%swap3A_30, %swap3A_31], %scan3A_28#1 {strides = array<i32>} : memref<128x21xf32, #tpu.memory_space<vmem>>, vector<128x21xf32>,
    %mul3A_33 = arith.constant 128 : i32
    %mul3A_34 = arith.muli %arg0, %mul3A_33 : i32
    %add3A_35 = vector.broadcast %mul3A_34 : i32 to vector<128x1xi32>
    %add3A_36 = arith.addi %add3A_35, %iota3A_7 : vector<128x1xi32>
    %mul3A_37 = arith.constant 20000 : i32
    %mul3A_38 = vector.broadcast %mul3A_37 : i32 to vector<128x1xi32>
    %mul3A_39 = arith.muli %add3A_36, %mul3A_38 : vector<128x1xi32>
    %add3A_40 = vector.broadcast %mul3A_39 : vector<128x1xi32> to vector<128x21xi32>
    %add3A_41 = arith.addi %add3A_40, %scan3A_28#2 : vector<128x21xi32>
    %swap3A_42 = arith.constant 0 : index
    %swap3A_43 = arith.constant 0 : index
    %swap3A_44 = vector.load %arg4[%swap3A_42, %swap3A_43] : memref<128x21xi32, #tpu.memory_space<vmem>>, vector<128x21xi32>
    tpu.vector_store %arg4[%swap3A_42, %swap3A_43], %add3A_41 {strides = array<i32>} : memref<128x21xi32, #tpu.memory_space<vmem>>, vector<128x21xi32>,
    return
  }
  func.func @transform_0(%arg0: i32) -> (i32, i32) {
    %c0_i32 = arith.constant 0 : i32
    %c0_i32_0 = arith.constant 0 : i32
    return %arg0, %c0_i32 : i32, i32
  }
  func.func @transform_1(%arg0: i32) -> (i32, i32) {
    %c0_i32 = arith.constant 0 : i32
    %c0_i32_0 = arith.constant 0 : i32
    return %arg0, %c0_i32 : i32, i32
  }
  func.func @transform_2(%arg0: i32) -> (i32, i32) {
    %c0_i32 = arith.constant 0 : i32
    %c0_i32_0 = arith.constant 0 : i32
    return %arg0, %c0_i32 : i32, i32
  }
  func.func @transform_3(%arg0: i32) -> (i32, i32) {
    %c0_i32 = arith.constant 0 : i32
    %c0_i32_0 = arith.constant 0 : i32
    return %arg0, %c0_i32 : i32, i32
  }
}

module attributes {stable_mosaic.version = 14 : i64} {
  func.func @_gru_body(%arg0: memref<1024x64xf32, #tpu.memory_space<vmem>>, %arg1: memref<1024x64xf32, #tpu.memory_space<vmem>>, %arg2: memref<1x384xf32, #tpu.memory_space<vmem>>, %arg3: memref<1x384xf32, #tpu.memory_space<vmem>>, %arg4: memref<1x384xf32, #tpu.memory_space<vmem>>, %arg5: memref<128x384xf32, #tpu.memory_space<vmem>>, %arg6: memref<1x384xf32, #tpu.memory_space<vmem>>, %arg7: memref<128x384xf32, #tpu.memory_space<vmem>>, %arg8: memref<1x384xf32, #tpu.memory_space<vmem>>, %arg9: memref<128x384xf32, #tpu.memory_space<vmem>>, %arg10: memref<1x384xf32, #tpu.memory_space<vmem>>, %arg11: memref<128x2xf32, #tpu.memory_space<vmem>>, %arg12: memref<1x2xf32, #tpu.memory_space<vmem>>, %arg13: memref<1024x2xf32, #tpu.memory_space<vmem>>, %arg14: memref<1024x128xf32, #tpu.memory_space<vmem>>, %arg15: memref<1024x128xf32, #tpu.memory_space<vmem>>) attributes {dimension_semantics = [], scalar_prefetch = 0 : i64, scratch_operands = 2 : i64, tpu.core_type = #tpu.core_type<tc>} {
    %broadcast_in_dim3A = arith.constant 0.000000e+00 : f32
    %broadcast_in_dim3A_0 = vector.broadcast %broadcast_in_dim3A : f32 to vector<1024x128xf32>
    %swap3A = arith.constant 0 : index
    %swap3A_1 = arith.constant 0 : index
    %swap3A_2 = vector.load %arg14[%swap3A, %swap3A_1] : memref<1024x128xf32, #tpu.memory_space<vmem>>, vector<1024x128xf32>
    tpu.vector_store %arg14[%swap3A, %swap3A_1], %broadcast_in_dim3A_0 {strides = array<i32>} : memref<1024x128xf32, #tpu.memory_space<vmem>>, vector<1024x128xf32>,
    %broadcast_in_dim3A_3 = arith.constant 0.000000e+00 : f32
    %broadcast_in_dim3A_4 = vector.broadcast %broadcast_in_dim3A_3 : f32 to vector<1024x128xf32>
    %swap3A_5 = arith.constant 0 : index
    %swap3A_6 = arith.constant 0 : index
    %swap3A_7 = vector.load %arg15[%swap3A_5, %swap3A_6] : memref<1024x128xf32, #tpu.memory_space<vmem>>, vector<1024x128xf32>
    tpu.vector_store %arg15[%swap3A_5, %swap3A_6], %broadcast_in_dim3A_4 {strides = array<i32>} : memref<1024x128xf32, #tpu.memory_space<vmem>>, vector<1024x128xf32>,
    %iota3A = tpu.iota {dimensions = array<i32: 1>} : vector<1024x64xi32>
    %get3A = arith.constant 0 : index
    %get3A_8 = arith.constant 0 : index
    %get3A_9 = vector.load %arg2[%get3A, %get3A_8] : memref<1x384xf32, #tpu.memory_space<vmem>>, vector<1x384xf32>
    %get3A_10 = arith.constant 0 : index
    %get3A_11 = arith.constant 0 : index
    %get3A_12 = vector.load %arg3[%get3A_10, %get3A_11] : memref<1x384xf32, #tpu.memory_space<vmem>>, vector<1x384xf32>
    %get3A_13 = arith.constant 0 : index
    %get3A_14 = arith.constant 0 : index
    %get3A_15 = vector.load %arg4[%get3A_13, %get3A_14] : memref<1x384xf32, #tpu.memory_space<vmem>>, vector<1x384xf32>
    %get3A_16 = arith.constant 0 : index
    %get3A_17 = arith.constant 0 : index
    %get3A_18 = vector.load %arg6[%get3A_16, %get3A_17] : memref<1x384xf32, #tpu.memory_space<vmem>>, vector<1x384xf32>
    %get3A_19 = arith.constant 0 : index
    %get3A_20 = arith.constant 0 : index
    %get3A_21 = vector.load %arg8[%get3A_19, %get3A_20] : memref<1x384xf32, #tpu.memory_space<vmem>>, vector<1x384xf32>
    %get3A_22 = arith.constant 0 : index
    %get3A_23 = arith.constant 0 : index
    %get3A_24 = vector.load %arg10[%get3A_22, %get3A_23] : memref<1x384xf32, #tpu.memory_space<vmem>>, vector<1x384xf32>
    %scan3A = arith.constant 0 : i32
    %scan3A_25 = arith.constant 64 : i32
    %scan3A_26 = arith.addi %scan3A, %scan3A_25 : i32
    %scan3A_27 = arith.constant 1 : i32
    scf.for %scan3A_43 = %scan3A to %scan3A_26 step %scan3A_27  : i32 {
      %eq3A = vector.broadcast %scan3A_43 : i32 to vector<1024x64xi32>
      %eq3A_44 = arith.cmpi eq, %iota3A, %eq3A : vector<1024x64xi32>
      %get3A_45 = arith.constant 0 : index
      %get3A_46 = arith.constant 0 : index
      %get3A_47 = vector.load %arg0[%get3A_45, %get3A_46] : memref<1024x64xf32, #tpu.memory_space<vmem>>, vector<1024x64xf32>
      %jit3A = arith.constant 0.000000e+00 : f32
      %broadcast_in_dim3A_48 = vector.broadcast %jit3A : f32 to vector<1024x64xf32>
      %select_n3A = arith.select %eq3A_44, %get3A_47, %broadcast_in_dim3A_48 : vector<1024x64xi1>, vector<1024x64xf32>
      %reduce_sum3A = arith.constant dense<0.000000e+00> : vector<1024xf32>
      %reduce_sum3A_49 = vector.multi_reduction <add>, %select_n3A, %reduce_sum3A [1] : vector<1024x64xf32> to vector<1024xf32>
      %broadcast_in_dim3A_50 = vector.shape_cast %reduce_sum3A_49 : vector<1024xf32> to vector<1024x1xf32>
      %get3A_51 = arith.constant 0 : index
      %get3A_52 = arith.constant 0 : index
      %get3A_53 = vector.load %arg1[%get3A_51, %get3A_52] : memref<1024x64xf32, #tpu.memory_space<vmem>>, vector<1024x64xf32>
      %jit3A_54 = arith.constant 0.000000e+00 : f32
      %broadcast_in_dim3A_55 = vector.broadcast %jit3A_54 : f32 to vector<1024x64xf32>
      %select_n3A_56 = arith.select %eq3A_44, %get3A_53, %broadcast_in_dim3A_55 : vector<1024x64xi1>, vector<1024x64xf32>
      %reduce_sum3A_57 = arith.constant dense<0.000000e+00> : vector<1024xf32>
      %reduce_sum3A_58 = vector.multi_reduction <add>, %select_n3A_56, %reduce_sum3A_57 [1] : vector<1024x64xf32> to vector<1024xf32>
      %broadcast_in_dim3A_59 = vector.shape_cast %reduce_sum3A_58 : vector<1024xf32> to vector<1024x1xf32>
      %get3A_60 = arith.constant 0 : index
      %get3A_61 = arith.constant 0 : index
      %get3A_62 = vector.load %arg14[%get3A_60, %get3A_61] : memref<1024x128xf32, #tpu.memory_space<vmem>>, vector<1024x128xf32>
      %mul3A = vector.broadcast %broadcast_in_dim3A_50 : vector<1024x1xf32> to vector<1024x384xf32>
      %mul3A_63 = vector.broadcast %get3A_9 : vector<1x384xf32> to vector<1024x384xf32>
      %mul3A_64 = arith.mulf %mul3A, %mul3A_63 : vector<1024x384xf32>
      %mul3A_65 = vector.broadcast %broadcast_in_dim3A_59 : vector<1024x1xf32> to vector<1024x384xf32>
      %mul3A_66 = vector.broadcast %get3A_12 : vector<1x384xf32> to vector<1024x384xf32>
      %mul3A_67 = arith.mulf %mul3A_65, %mul3A_66 : vector<1024x384xf32>
      %add3A_68 = arith.addf %mul3A_64, %mul3A_67 : vector<1024x384xf32>
      %add3A_69 = vector.broadcast %get3A_15 : vector<1x384xf32> to vector<1024x384xf32>
      %add3A_70 = arith.addf %add3A_68, %add3A_69 : vector<1024x384xf32>
      %get3A_71 = arith.constant 0 : index
      %get3A_72 = arith.constant 0 : index
      %get3A_73 = vector.load %arg5[%get3A_71, %get3A_72] : memref<128x384xf32, #tpu.memory_space<vmem>>, vector<128x384xf32>
      %dot_general3A_74 = arith.constant dense<0.000000e+00> : vector<1024x384xf32>
      %dot_general3A_75 = tpu.matmul %get3A_62, %get3A_73, %dot_general3A_74 {dimension_numbers = #tpu.dot_dimension_numbers<[1], [0], [0], [1], [0, 0, 1, 1], [], []>, transpose_lhs_hint = false} : vector<1024x128xf32>, vector<128x384xf32>, vector<1024x384xf32> -> vector<1024x384xf32>
      %add3A_76 = vector.broadcast %get3A_18 : vector<1x384xf32> to vector<1024x384xf32>
      %add3A_77 = arith.addf %dot_general3A_75, %add3A_76 : vector<1024x384xf32>
      %slice3A = vector.extract_strided_slice %add3A_70 {offsets = [0, 0], sizes = [1024, 128], strides = [1, 1]} : vector<1024x384xf32> to vector<1024x128xf32>
      %slice3A_78 = vector.extract_strided_slice %add3A_77 {offsets = [0, 0], sizes = [1024, 128], strides = [1, 1]} : vector<1024x384xf32> to vector<1024x128xf32>
      %add3A_79 = arith.addf %slice3A, %slice3A_78 : vector<1024x128xf32>
      %logistic3A = arith.negf %add3A_79 : vector<1024x128xf32>
      %logistic3A_80 = math.exp %logistic3A : vector<1024x128xf32>
      %logistic3A_81 = arith.constant 1.000000e+00 : f32
      %logistic3A_82 = vector.broadcast %logistic3A_81 : f32 to vector<1024x128xf32>
      %logistic3A_83 = arith.addf %logistic3A_82, %logistic3A_80 : vector<1024x128xf32>
      %logistic3A_84 = arith.divf %logistic3A_82, %logistic3A_83 : vector<1024x128xf32>
      %slice3A_85 = vector.extract_strided_slice %add3A_70 {offsets = [0, 128], sizes = [1024, 128], strides = [1, 1]} : vector<1024x384xf32> to vector<1024x128xf32>
      %slice3A_86 = vector.extract_strided_slice %add3A_77 {offsets = [0, 128], sizes = [1024, 128], strides = [1, 1]} : vector<1024x384xf32> to vector<1024x128xf32>
      %add3A_87 = arith.addf %slice3A_85, %slice3A_86 : vector<1024x128xf32>
      %logistic3A_88 = arith.negf %add3A_87 : vector<1024x128xf32>
      %logistic3A_89 = math.exp %logistic3A_88 : vector<1024x128xf32>
      %logistic3A_90 = arith.constant 1.000000e+00 : f32
      %logistic3A_91 = vector.broadcast %logistic3A_90 : f32 to vector<1024x128xf32>
      %logistic3A_92 = arith.addf %logistic3A_91, %logistic3A_89 : vector<1024x128xf32>
      %logistic3A_93 = arith.divf %logistic3A_91, %logistic3A_92 : vector<1024x128xf32>
      %slice3A_94 = vector.extract_strided_slice %add3A_70 {offsets = [0, 256], sizes = [1024, 128], strides = [1, 1]} : vector<1024x384xf32> to vector<1024x128xf32>
      %slice3A_95 = vector.extract_strided_slice %add3A_77 {offsets = [0, 256], sizes = [1024, 128], strides = [1, 1]} : vector<1024x384xf32> to vector<1024x128xf32>
      %mul3A_96 = arith.mulf %logistic3A_84, %slice3A_95 : vector<1024x128xf32>
      %add3A_97 = arith.addf %slice3A_94, %mul3A_96 : vector<1024x128xf32>
      %tanh3A = math.tanh %add3A_97 : vector<1024x128xf32>
      %sub3A = arith.constant 1.000000e+00 : f32
      %sub3A_98 = vector.broadcast %sub3A : f32 to vector<1024x128xf32>
      %sub3A_99 = arith.subf %sub3A_98, %logistic3A_93 : vector<1024x128xf32>
      %mul3A_100 = arith.mulf %sub3A_99, %tanh3A : vector<1024x128xf32>
      %mul3A_101 = arith.mulf %logistic3A_93, %get3A_62 : vector<1024x128xf32>
      %add3A_102 = arith.addf %mul3A_100, %mul3A_101 : vector<1024x128xf32>
      %swap3A_103 = arith.constant 0 : index
      %swap3A_104 = arith.constant 0 : index
      %swap3A_105 = vector.load %arg14[%swap3A_103, %swap3A_104] : memref<1024x128xf32, #tpu.memory_space<vmem>>, vector<1024x128xf32>
      tpu.vector_store %arg14[%swap3A_103, %swap3A_104], %add3A_102 {strides = array<i32>} : memref<1024x128xf32, #tpu.memory_space<vmem>>, vector<1024x128xf32>,
      %get3A_106 = arith.constant 0 : index
      %get3A_107 = arith.constant 0 : index
      %get3A_108 = vector.load %arg15[%get3A_106, %get3A_107] : memref<1024x128xf32, #tpu.memory_space<vmem>>, vector<1024x128xf32>
      %get3A_109 = arith.constant 0 : index
      %get3A_110 = arith.constant 0 : index
      %get3A_111 = vector.load %arg7[%get3A_109, %get3A_110] : memref<128x384xf32, #tpu.memory_space<vmem>>, vector<128x384xf32>
      %dot_general3A_112 = arith.constant dense<0.000000e+00> : vector<1024x384xf32>
      %dot_general3A_113 = tpu.matmul %add3A_102, %get3A_111, %dot_general3A_112 {dimension_numbers = #tpu.dot_dimension_numbers<[1], [0], [0], [1], [0, 0, 1, 1], [], []>, transpose_lhs_hint = false} : vector<1024x128xf32>, vector<128x384xf32>, vector<1024x384xf32> -> vector<1024x384xf32>
      %add3A_114 = vector.broadcast %get3A_21 : vector<1x384xf32> to vector<1024x384xf32>
      %add3A_115 = arith.addf %dot_general3A_113, %add3A_114 : vector<1024x384xf32>
      %get3A_116 = arith.constant 0 : index
      %get3A_117 = arith.constant 0 : index
      %get3A_118 = vector.load %arg9[%get3A_116, %get3A_117] : memref<128x384xf32, #tpu.memory_space<vmem>>, vector<128x384xf32>
      %dot_general3A_119 = arith.constant dense<0.000000e+00> : vector<1024x384xf32>
      %dot_general3A_120 = tpu.matmul %get3A_108, %get3A_118, %dot_general3A_119 {dimension_numbers = #tpu.dot_dimension_numbers<[1], [0], [0], [1], [0, 0, 1, 1], [], []>, transpose_lhs_hint = false} : vector<1024x128xf32>, vector<128x384xf32>, vector<1024x384xf32> -> vector<1024x384xf32>
      %add3A_121 = vector.broadcast %get3A_24 : vector<1x384xf32> to vector<1024x384xf32>
      %add3A_122 = arith.addf %dot_general3A_120, %add3A_121 : vector<1024x384xf32>
      %slice3A_123 = vector.extract_strided_slice %add3A_115 {offsets = [0, 0], sizes = [1024, 128], strides = [1, 1]} : vector<1024x384xf32> to vector<1024x128xf32>
      %slice3A_124 = vector.extract_strided_slice %add3A_122 {offsets = [0, 0], sizes = [1024, 128], strides = [1, 1]} : vector<1024x384xf32> to vector<1024x128xf32>
      %add3A_125 = arith.addf %slice3A_123, %slice3A_124 : vector<1024x128xf32>
      %logistic3A_126 = arith.negf %add3A_125 : vector<1024x128xf32>
      %logistic3A_127 = math.exp %logistic3A_126 : vector<1024x128xf32>
      %logistic3A_128 = arith.constant 1.000000e+00 : f32
      %logistic3A_129 = vector.broadcast %logistic3A_128 : f32 to vector<1024x128xf32>
      %logistic3A_130 = arith.addf %logistic3A_129, %logistic3A_127 : vector<1024x128xf32>
      %logistic3A_131 = arith.divf %logistic3A_129, %logistic3A_130 : vector<1024x128xf32>
      %slice3A_132 = vector.extract_strided_slice %add3A_115 {offsets = [0, 128], sizes = [1024, 128], strides = [1, 1]} : vector<1024x384xf32> to vector<1024x128xf32>
      %slice3A_133 = vector.extract_strided_slice %add3A_122 {offsets = [0, 128], sizes = [1024, 128], strides = [1, 1]} : vector<1024x384xf32> to vector<1024x128xf32>
      %add3A_134 = arith.addf %slice3A_132, %slice3A_133 : vector<1024x128xf32>
      %logistic3A_135 = arith.negf %add3A_134 : vector<1024x128xf32>
      %logistic3A_136 = math.exp %logistic3A_135 : vector<1024x128xf32>
      %logistic3A_137 = arith.constant 1.000000e+00 : f32
      %logistic3A_138 = vector.broadcast %logistic3A_137 : f32 to vector<1024x128xf32>
      %logistic3A_139 = arith.addf %logistic3A_138, %logistic3A_136 : vector<1024x128xf32>
      %logistic3A_140 = arith.divf %logistic3A_138, %logistic3A_139 : vector<1024x128xf32>
      %slice3A_141 = vector.extract_strided_slice %add3A_115 {offsets = [0, 256], sizes = [1024, 128], strides = [1, 1]} : vector<1024x384xf32> to vector<1024x128xf32>
      %slice3A_142 = vector.extract_strided_slice %add3A_122 {offsets = [0, 256], sizes = [1024, 128], strides = [1, 1]} : vector<1024x384xf32> to vector<1024x128xf32>
      %mul3A_143 = arith.mulf %logistic3A_131, %slice3A_142 : vector<1024x128xf32>
      %add3A_144 = arith.addf %slice3A_141, %mul3A_143 : vector<1024x128xf32>
      %tanh3A_145 = math.tanh %add3A_144 : vector<1024x128xf32>
      %sub3A_146 = arith.constant 1.000000e+00 : f32
      %sub3A_147 = vector.broadcast %sub3A_146 : f32 to vector<1024x128xf32>
      %sub3A_148 = arith.subf %sub3A_147, %logistic3A_140 : vector<1024x128xf32>
      %mul3A_149 = arith.mulf %sub3A_148, %tanh3A_145 : vector<1024x128xf32>
      %mul3A_150 = arith.mulf %logistic3A_140, %get3A_108 : vector<1024x128xf32>
      %add3A_151 = arith.addf %mul3A_149, %mul3A_150 : vector<1024x128xf32>
      %swap3A_152 = arith.constant 0 : index
      %swap3A_153 = arith.constant 0 : index
      %swap3A_154 = vector.load %arg15[%swap3A_152, %swap3A_153] : memref<1024x128xf32, #tpu.memory_space<vmem>>, vector<1024x128xf32>
      tpu.vector_store %arg15[%swap3A_152, %swap3A_153], %add3A_151 {strides = array<i32>} : memref<1024x128xf32, #tpu.memory_space<vmem>>, vector<1024x128xf32>,
    }
    %scan3A_28 = arith.constant 64 : i32
    %get3A_29 = arith.constant 0 : index
    %get3A_30 = arith.constant 0 : index
    %get3A_31 = vector.load %arg15[%get3A_29, %get3A_30] : memref<1024x128xf32, #tpu.memory_space<vmem>>, vector<1024x128xf32>
    %get3A_32 = arith.constant 0 : index
    %get3A_33 = arith.constant 0 : index
    %get3A_34 = vector.load %arg11[%get3A_32, %get3A_33] : memref<128x2xf32, #tpu.memory_space<vmem>>, vector<128x2xf32>
    %dot_general3A = arith.constant dense<0.000000e+00> : vector<1024x2xf32>
    %dot_general3A_35 = tpu.matmul %get3A_31, %get3A_34, %dot_general3A {dimension_numbers = #tpu.dot_dimension_numbers<[1], [0], [0], [1], [0, 0, 1, 1], [], []>, transpose_lhs_hint = false} : vector<1024x128xf32>, vector<128x2xf32>, vector<1024x2xf32> -> vector<1024x2xf32>
    %get3A_36 = arith.constant 0 : index
    %get3A_37 = arith.constant 0 : index
    %get3A_38 = vector.load %arg12[%get3A_36, %get3A_37] : memref<1x2xf32, #tpu.memory_space<vmem>>, vector<1x2xf32>
    %add3A = vector.broadcast %get3A_38 : vector<1x2xf32> to vector<1024x2xf32>
    %add3A_39 = arith.addf %dot_general3A_35, %add3A : vector<1024x2xf32>
    %swap3A_40 = arith.constant 0 : index
    %swap3A_41 = arith.constant 0 : index
    %swap3A_42 = vector.load %arg13[%swap3A_40, %swap3A_41] : memref<1024x2xf32, #tpu.memory_space<vmem>>, vector<1024x2xf32>
    tpu.vector_store %arg13[%swap3A_40, %swap3A_41], %add3A_39 {strides = array<i32>} : memref<1024x2xf32, #tpu.memory_space<vmem>>, vector<1024x2xf32>,
    return
  }
}

module attributes {stable_mosaic.version = 14 : i64} {
  func.func @_combine_body(%arg0: memref<1024x21xf32, #tpu.memory_space<vmem>>, %arg1: memref<1024x2688xf32, #tpu.memory_space<vmem>>, %arg2: memref<1024x21xi32, #tpu.memory_space<vmem>>, %arg3: memref<1024x2xf32, #tpu.memory_space<vmem>>, %arg4: memref<1024x1xf32, #tpu.memory_space<vmem>>, %arg5: memref<8x64xf32, #tpu.memory_space<vmem>>, %arg6: memref<1x64xf32, #tpu.memory_space<vmem>>, %arg7: memref<64x2xf32, #tpu.memory_space<vmem>>, %arg8: memref<1x2xf32, #tpu.memory_space<vmem>>, %arg9: memref<1x1xf32, #tpu.memory_space<vmem>>, %arg10: memref<1x1xf32, #tpu.memory_space<vmem>>, %arg11: memref<1024x1xf32, #tpu.memory_space<vmem>>) attributes {dimension_semantics = [], scalar_prefetch = 0 : i64, scratch_operands = 0 : i64, tpu.core_type = #tpu.core_type<tc>} {
    %iota3A = tpu.iota {dimensions = array<i32: 1>} : vector<1024x21xi32>
    %iota3A_0 = tpu.iota {dimensions = array<i32: 2>} : vector<1024x21x128xi32>
    %get3A = arith.constant 0 : index
    %get3A_1 = arith.constant 0 : index
    %get3A_2 = vector.load %arg2[%get3A, %get3A_1] : memref<1024x21xi32, #tpu.memory_space<vmem>>, vector<1024x21xi32>
    %jit3A = arith.constant 128 : i32
    %eq3A = arith.constant 0 : i32
    %eq3A_3 = arith.cmpi eq, %jit3A, %eq3A : i32
    %jit3A_4 = arith.constant 1 : i32
    %select_n3A = arith.select %eq3A_3, %jit3A_4, %jit3A : i32
    %rem3A = vector.broadcast %select_n3A : i32 to vector<1024x21xi32>
    %rem3A_5 = arith.remsi %get3A_2, %rem3A : vector<1024x21xi32>
    %ne3A = arith.constant 0 : i32
    %ne3A_6 = vector.broadcast %ne3A : i32 to vector<1024x21xi32>
    %ne3A_7 = arith.cmpi ne, %rem3A_5, %ne3A_6 : vector<1024x21xi32>
    %lt3A = arith.constant 0 : i32
    %lt3A_8 = vector.broadcast %lt3A : i32 to vector<1024x21xi32>
    %lt3A_9 = arith.cmpi slt, %rem3A_5, %lt3A_8 : vector<1024x21xi32>
    %lt3A_10 = arith.constant 0 : i32
    %lt3A_11 = arith.cmpi slt, %select_n3A, %lt3A_10 : i32
    %ne3A_12 = vector.broadcast %lt3A_11 : i1 to vector<1024x21xi1>
    %ne3A_13 = vector.broadcast %ne3A_12 : vector<1024x21xi1> to vector<1024x21xi1>
    %ne3A_14 = arith.xori %lt3A_9, %ne3A_13 : vector<1024x21xi1>
    %and3A = arith.andi %ne3A_14, %ne3A_7 : vector<1024x21xi1>
    %add3A = vector.broadcast %select_n3A : i32 to vector<1024x21xi32>
    %add3A_15 = arith.addi %rem3A_5, %add3A : vector<1024x21xi32>
    %select_n3A_16 = arith.select %and3A, %add3A_15, %rem3A_5 : vector<1024x21xi1>, vector<1024x21xi32>
    %broadcast_in_dim3A = vector.shape_cast %select_n3A_16 : vector<1024x21xi32> to vector<1024x21x1xi32>
    %get3A_17 = arith.constant 0 : index
    %get3A_18 = arith.constant 0 : index
    %get3A_19 = vector.load %arg1[%get3A_17, %get3A_18] : memref<1024x2688xf32, #tpu.memory_space<vmem>>, vector<1024x2688xf32>
    %reshape3A = vector.shape_cast %get3A_19 : vector<1024x2688xf32> to vector<1024x21x128xf32>
    %eq3A_20 = vector.broadcast %broadcast_in_dim3A : vector<1024x21x1xi32> to vector<1024x21x128xi32>
    %eq3A_21 = arith.cmpi eq, %iota3A_0, %eq3A_20 : vector<1024x21x128xi32>
    %jit3A_22 = arith.constant 0.000000e+00 : f32
    %broadcast_in_dim3A_23 = vector.broadcast %jit3A_22 : f32 to vector<1024x21x128xf32>
    %select_n3A_24 = arith.select %eq3A_21, %reshape3A, %broadcast_in_dim3A_23 : vector<1024x21x128xi1>, vector<1024x21x128xf32>
    %reduce_sum3A = arith.constant dense<0.000000e+00> : vector<1024x21xf32>
    %reduce_sum3A_25 = vector.multi_reduction <add>, %select_n3A_24, %reduce_sum3A [2] : vector<1024x21x128xf32> to vector<1024x21xf32>
    %get3A_26 = arith.constant 0 : index
    %get3A_27 = arith.constant 0 : index
    %get3A_28 = vector.load %arg0[%get3A_26, %get3A_27] : memref<1024x21xf32, #tpu.memory_space<vmem>>, vector<1024x21xf32>
    %sqrt3A = math.sqrt %get3A_28 : vector<1024x21xf32>
    %neg3A = arith.constant 0.000000e+00 : f32
    %neg3A_29 = vector.broadcast %neg3A : f32 to vector<1024x21xf32>
    %neg3A_30 = arith.subf %neg3A_29, %sqrt3A : vector<1024x21xf32>
    %div3A = arith.constant 1.000000e+00 : f32
    %div3A_31 = vector.broadcast %div3A : f32 to vector<1024x21xf32>
    %div3A_32 = arith.divf %neg3A_30, %div3A_31 : vector<1024x21xf32>
    %exp3A = math.exp %div3A_32 : vector<1024x21xf32>
    %gt3A = arith.constant 0 : i32
    %gt3A_33 = vector.broadcast %gt3A : i32 to vector<1024x21xi32>
    %gt3A_34 = arith.cmpi sgt, %iota3A, %gt3A_33 : vector<1024x21xi32>
    %jit3A_35 = arith.constant 0.000000e+00 : f32
    %broadcast_in_dim3A_36 = vector.broadcast %jit3A_35 : f32 to vector<1024x21xf32>
    %select_n3A_37 = arith.select %gt3A_34, %exp3A, %broadcast_in_dim3A_36 : vector<1024x21xi1>, vector<1024x21xf32>
    %jit3A_38 = arith.constant 0.000000e+00 : f32
    %broadcast_in_dim3A_39 = vector.broadcast %jit3A_38 : f32 to vector<1024x21xf32>
    %select_n3A_40 = arith.select %gt3A_34, %reduce_sum3A_25, %broadcast_in_dim3A_39 : vector<1024x21xi1>, vector<1024x21xf32>
    %reduce_sum3A_41 = arith.constant dense<0.000000e+00> : vector<1024xf32>
    %reduce_sum3A_42 = vector.multi_reduction <add>, %select_n3A_37, %reduce_sum3A_41 [1] : vector<1024x21xf32> to vector<1024xf32>
    %broadcast_in_dim3A_43 = vector.shape_cast %reduce_sum3A_42 : vector<1024xf32> to vector<1024x1xf32>
    %mul3A = arith.mulf %select_n3A_37, %select_n3A_40 : vector<1024x21xf32>
    %reduce_sum3A_44 = arith.constant dense<0.000000e+00> : vector<1024xf32>
    %reduce_sum3A_45 = vector.multi_reduction <add>, %mul3A, %reduce_sum3A_44 [1] : vector<1024x21xf32> to vector<1024xf32>
    %broadcast_in_dim3A_46 = vector.shape_cast %reduce_sum3A_45 : vector<1024xf32> to vector<1024x1xf32>
    %div3A_47 = arith.divf %broadcast_in_dim3A_46, %broadcast_in_dim3A_43 : vector<1024x1xf32>
    %reduce_sum3A_48 = arith.constant dense<0.000000e+00> : vector<1024xf32>
    %reduce_sum3A_49 = vector.multi_reduction <add>, %select_n3A_40, %reduce_sum3A_48 [1] : vector<1024x21xf32> to vector<1024xf32>
    %broadcast_in_dim3A_50 = vector.shape_cast %reduce_sum3A_49 : vector<1024xf32> to vector<1024x1xf32>
    %mul3A_51 = arith.mulf %select_n3A_40, %select_n3A_40 : vector<1024x21xf32>
    %reduce_sum3A_52 = arith.constant dense<0.000000e+00> : vector<1024xf32>
    %reduce_sum3A_53 = vector.multi_reduction <add>, %mul3A_51, %reduce_sum3A_52 [1] : vector<1024x21xf32> to vector<1024xf32>
    %broadcast_in_dim3A_54 = vector.shape_cast %reduce_sum3A_53 : vector<1024xf32> to vector<1024x1xf32>
    %mul3A_55 = arith.mulf %broadcast_in_dim3A_50, %broadcast_in_dim3A_50 : vector<1024x1xf32>
    %div3A_56 = arith.constant 2.000000e+01 : f32
    %div3A_57 = vector.broadcast %div3A_56 : f32 to vector<1024x1xf32>
    %div3A_58 = arith.divf %mul3A_55, %div3A_57 : vector<1024x1xf32>
    %sub3A = arith.subf %broadcast_in_dim3A_54, %div3A_58 : vector<1024x1xf32>
    %div3A_59 = arith.constant 1.900000e+01 : f32
    %div3A_60 = vector.broadcast %div3A_59 : f32 to vector<1024x1xf32>
    %div3A_61 = arith.divf %sub3A, %div3A_60 : vector<1024x1xf32>
    %jit3A_62 = arith.constant 0.000000e+00 : f32
    %max3A = vector.broadcast %jit3A_62 : f32 to vector<1024x1xf32>
    %max3A_63 = arith.maximumf %max3A, %div3A_61 : vector<1024x1xf32>
    %sqrt3A_64 = math.sqrt %max3A_63 : vector<1024x1xf32>
    %get3A_65 = arith.constant 0 : index
    %get3A_66 = arith.constant 0 : index
    %get3A_67 = vector.load %arg3[%get3A_65, %get3A_66] : memref<1024x2xf32, #tpu.memory_space<vmem>>, vector<1024x2xf32>
    %get3A_68 = arith.constant 0 : index
    %get3A_69 = arith.constant 0 : index
    %get3A_70 = vector.load %arg4[%get3A_68, %get3A_69] : memref<1024x1xf32, #tpu.memory_space<vmem>>, vector<1024x1xf32>
    %broadcast_in_dim3A_71 = arith.constant 0.000000e+00 : f32
    %broadcast_in_dim3A_72 = vector.broadcast %broadcast_in_dim3A_71 : f32 to vector<1024x3xf32>
    %concatenate3A = tpu.concatenate %div3A_47, %broadcast_in_dim3A_43, %sqrt3A_64, %get3A_67, %broadcast_in_dim3A_72 in 1 : vector<1024x1xf32>, vector<1024x1xf32>, vector<1024x1xf32>, vector<1024x2xf32>, vector<1024x3xf32> -> vector<1024x8xf32>
    %get3A_73 = arith.constant 0 : index
    %get3A_74 = arith.constant 0 : index
    %get3A_75 = vector.load %arg5[%get3A_73, %get3A_74] : memref<8x64xf32, #tpu.memory_space<vmem>>, vector<8x64xf32>
    %dot_general3A = arith.constant dense<0.000000e+00> : vector<1024x64xf32>
    %dot_general3A_76 = tpu.matmul %concatenate3A, %get3A_75, %dot_general3A {dimension_numbers = #tpu.dot_dimension_numbers<[1], [0], [0], [1], [0, 0, 1, 1], [], []>, transpose_lhs_hint = false} : vector<1024x8xf32>, vector<8x64xf32>, vector<1024x64xf32> -> vector<1024x64xf32>
    %get3A_77 = arith.constant 0 : index
    %get3A_78 = arith.constant 0 : index
    %get3A_79 = vector.load %arg6[%get3A_77, %get3A_78] : memref<1x64xf32, #tpu.memory_space<vmem>>, vector<1x64xf32>
    %add3A_80 = vector.broadcast %get3A_79 : vector<1x64xf32> to vector<1024x64xf32>
    %add3A_81 = arith.addf %dot_general3A_76, %add3A_80 : vector<1024x64xf32>
    %jit3A_82 = arith.constant 0.000000e+00 : f32
    %max3A_83 = vector.broadcast %jit3A_82 : f32 to vector<1024x64xf32>
    %max3A_84 = arith.maximumf %max3A_83, %add3A_81 : vector<1024x64xf32>
    %get3A_85 = arith.constant 0 : index
    %get3A_86 = arith.constant 0 : index
    %get3A_87 = vector.load %arg7[%get3A_85, %get3A_86] : memref<64x2xf32, #tpu.memory_space<vmem>>, vector<64x2xf32>
    %dot_general3A_88 = arith.constant dense<0.000000e+00> : vector<1024x2xf32>
    %dot_general3A_89 = tpu.matmul %max3A_84, %get3A_87, %dot_general3A_88 {dimension_numbers = #tpu.dot_dimension_numbers<[1], [0], [0], [1], [0, 0, 1, 1], [], []>, transpose_lhs_hint = false} : vector<1024x64xf32>, vector<64x2xf32>, vector<1024x2xf32> -> vector<1024x2xf32>
    %get3A_90 = arith.constant 0 : index
    %get3A_91 = arith.constant 0 : index
    %get3A_92 = vector.load %arg8[%get3A_90, %get3A_91] : memref<1x2xf32, #tpu.memory_space<vmem>>, vector<1x2xf32>
    %add3A_93 = vector.broadcast %get3A_92 : vector<1x2xf32> to vector<1024x2xf32>
    %add3A_94 = arith.addf %dot_general3A_89, %add3A_93 : vector<1024x2xf32>
    %slice3A = vector.extract_strided_slice %add3A_94 {offsets = [0, 0], sizes = [1024, 1], strides = [1, 1]} : vector<1024x2xf32> to vector<1024x1xf32>
    %slice3A_95 = vector.extract_strided_slice %add3A_94 {offsets = [0, 1], sizes = [1024, 1], strides = [1, 1]} : vector<1024x2xf32> to vector<1024x1xf32>
    %slice3A_96 = vector.extract_strided_slice %get3A_67 {offsets = [0, 0], sizes = [1024, 1], strides = [1, 1]} : vector<1024x2xf32> to vector<1024x1xf32>
    %slice3A_97 = vector.extract_strided_slice %get3A_67 {offsets = [0, 1], sizes = [1024, 1], strides = [1, 1]} : vector<1024x2xf32> to vector<1024x1xf32>
    %sub3A_98 = arith.subf %get3A_70, %slice3A_96 : vector<1024x1xf32>
    %integer_pow3A = arith.mulf %sub3A_98, %sub3A_98 : vector<1024x1xf32>
    %exp3A_99 = math.exp %slice3A_97 : vector<1024x1xf32>
    %div3A_100 = arith.divf %integer_pow3A, %exp3A_99 : vector<1024x1xf32>
    %add3A_101 = arith.addf %div3A_100, %slice3A_97 : vector<1024x1xf32>
    %reduce_sum3A_102 = vector.shape_cast %add3A_101 : vector<1024x1xf32> to vector<1x1024x1xf32>
    %reduce_sum3A_103 = arith.constant dense<0.000000e+00> : vector<1xf32>
    %reduce_sum3A_104 = vector.multi_reduction <add>, %reduce_sum3A_102, %reduce_sum3A_103 [1, 2] : vector<1x1024x1xf32> to vector<1xf32>
    %reduce_sum3A_105 = vector.shape_cast %reduce_sum3A_104 : vector<1xf32> to vector<1x1x1xf32>
    %reduce_sum3A_106 = vector.extract %reduce_sum3A_105[0, 0, 0] : f32 from vector<1x1x1xf32>
    %broadcast_in_dim3A_107 = vector.broadcast %reduce_sum3A_106 : f32 to vector<1x1xf32>
    %div3A_108 = arith.constant 1.024000e+03 : f32
    %div3A_109 = vector.broadcast %div3A_108 : f32 to vector<1x1xf32>
    %div3A_110 = arith.divf %broadcast_in_dim3A_107, %div3A_109 : vector<1x1xf32>
    %swap3A = arith.constant 0 : index
    %swap3A_111 = arith.constant 0 : index
    %swap3A_112 = vector.load %arg9[%swap3A, %swap3A_111] : memref<1x1xf32, #tpu.memory_space<vmem>>, vector<1x1xf32>
    tpu.vector_store %arg9[%swap3A, %swap3A_111], %div3A_110 {strides = array<i32>} : memref<1x1xf32, #tpu.memory_space<vmem>>, vector<1x1xf32>,
    %sub3A_113 = arith.subf %get3A_70, %slice3A : vector<1024x1xf32>
    %integer_pow3A_114 = arith.mulf %sub3A_113, %sub3A_113 : vector<1024x1xf32>
    %exp3A_115 = math.exp %slice3A_95 : vector<1024x1xf32>
    %div3A_116 = arith.divf %integer_pow3A_114, %exp3A_115 : vector<1024x1xf32>
    %add3A_117 = arith.addf %div3A_116, %slice3A_95 : vector<1024x1xf32>
    %reduce_sum3A_118 = vector.shape_cast %add3A_117 : vector<1024x1xf32> to vector<1x1024x1xf32>
    %reduce_sum3A_119 = arith.constant dense<0.000000e+00> : vector<1xf32>
    %reduce_sum3A_120 = vector.multi_reduction <add>, %reduce_sum3A_118, %reduce_sum3A_119 [1, 2] : vector<1x1024x1xf32> to vector<1xf32>
    %reduce_sum3A_121 = vector.shape_cast %reduce_sum3A_120 : vector<1xf32> to vector<1x1x1xf32>
    %reduce_sum3A_122 = vector.extract %reduce_sum3A_121[0, 0, 0] : f32 from vector<1x1x1xf32>
    %broadcast_in_dim3A_123 = vector.broadcast %reduce_sum3A_122 : f32 to vector<1x1xf32>
    %div3A_124 = arith.constant 1.024000e+03 : f32
    %div3A_125 = vector.broadcast %div3A_124 : f32 to vector<1x1xf32>
    %div3A_126 = arith.divf %broadcast_in_dim3A_123, %div3A_125 : vector<1x1xf32>
    %swap3A_127 = arith.constant 0 : index
    %swap3A_128 = arith.constant 0 : index
    %swap3A_129 = vector.load %arg10[%swap3A_127, %swap3A_128] : memref<1x1xf32, #tpu.memory_space<vmem>>, vector<1x1xf32>
    tpu.vector_store %arg10[%swap3A_127, %swap3A_128], %div3A_126 {strides = array<i32>} : memref<1x1xf32, #tpu.memory_space<vmem>>, vector<1x1xf32>,
    %swap3A_130 = arith.constant 0 : index
    %swap3A_131 = arith.constant 0 : index
    %swap3A_132 = vector.load %arg11[%swap3A_130, %swap3A_131] : memref<1024x1xf32, #tpu.memory_space<vmem>>, vector<1024x1xf32>
    tpu.vector_store %arg11[%swap3A_130, %swap3A_131], %slice3A {strides = array<i32>} : memref<1024x1xf32, #tpu.memory_space<vmem>>, vector<1024x1xf32>,
    return
  }
}

</mosaic_0001>

<sc_bundles>
// kernel: kernel.12.cloned.1.call-start
scs
__scs_entry_jumppad:
0x0: {  	(pc) =	sbr.rel $0x88, $3  }
0x1: {  	(tag) =	ssettag $0x0;
	lr =	simm.s32 $0x1  }
0x2: {  	[smem:$0x3F81] =	sst lr;
	_ =	strace $0xD0000000  }
0x3: {  	_ = 	snop  }
0x4: {  	_ = 	snop  }
0x5: {  	_ = 	snop  }
0x6: {  	_ = 	snop  }
0x7: {  	_ = 	snop  }
__scs_overlays_trampoline_lowered:
0x8: {  	[smem:$0x3F90] =	sst s0  }
0x9: {  	[smem:$0x3F91] =	sst s1  }
0xa: {  	[smem:$0x3F92] =	sst s2  }
0xb: {  	[smem:$0x3F93] =	sst s3  }
0xc: {  	[smem:$0x3F94] =	sst s4  }
0xd: {  	[smem:$0x3F95] =	sst s5  }
0xe: {  	[smem:$0x3F96] =	sst s6  }
0xf: {  	[smem:$0x3F97] =	sst s7  }
0x10: {  	[smem:$0x3F98] =	sst s8  }
0x11: {  	[smem:$0x3F99] =	sst s9;
	s0 =	simm.s32 @!p0 $0x0  }
0x12: {  	s1 =	sld [smem:$0x3F7F];
	s0 =	simm.s32 @p0 $0x1  }
0x13: {  	[smem:$0x3F9A] =	sst s0;
	s0 =	simm.s32 @!p1 $0x0  }
0x14: {  	s2 =	sld [smem:$0x3F7E];
	s0 =	simm.s32 @p1 $0x1  }
0x15: {  	[smem:$0x3F9B] =	sst s0;
	s0 =	simm.s32 @!p2 $0x0  }
0x16: {  	s3 =	sld [smem:$0x3FDB];
	s0 =	simm.s32 @p2 $0x1  }
0x17: {  	s4 =	simm.s32 $0x1BF5;
	[smem:$0x3F9D] =	sst s0  }
0x18: {  	s0 =	sld [smem:$0x3F80];
	_ =	swait.ge [sflag:s4], $0x0  }
0x19: {  	s7 =	sld [smem:$0x3F81]  }
0x1a: {  	s8 =	sadd.s32 $0xFFFFE003, lr  }
0x1b: {  	s9 =	sadd.s32 $0xFFFFFEF7, lr;
	s5 =	simm.s32 $0xFFFFFFFF;
	p2 =	slt.u32 s8, $0xFFFFF086  }
0x1c: {  	p1 =	slt.u32 s9, $0xF7A;
	s5 =	simm.s32 @!p2 $0x0  }
0x1d: {  	s5 =	simm.s32 @p1 $0x1;
	p0 =	seq.s32 s7, s2  }
0x1e: {  	s7 =	smul.u32 @!p0 $0xF7A, s2;
	p2 =	seq.s32 @!p0 s5, $0x0  }
0x1f: {  	s9 =	smul.u32 $0xF7A, s1;
	s8 =	simm.s32 @!p0 $0x1BF5;
	p2 =	por !p2, p0  }
0x20: {  	[sflag:s8] =	ssyncset.s32 @!p0 $0xFFFFF086;
	s6 =	sadd.s32 @!p0 s3, s7;
	s7 =	simm.s32 @!p0 $0x108  }
0x21: {  	s3 =	sadd.s32 s3, s9;
	s6 =	sadd.s32 @!p0 $0x88, s6;
	s7 =	simm.s32 @p2 $0x1082  }
0x22: {  	[simem:s7], [sflag:s8] =	dma.local @!p0 [hbm:s6], $0xF7A  }
0x23: {  	s9 =	sor.u32 $0xD0000000, s2;
	s6 =	simm.s32 $0x108;
	_ =	swait.ge @!p0 [sflag:s8], $0x0  }
0x24: {  	s3 =	sadd.s32 $0x88, s3;
	s6 =	simm.s32 @!p1 $0x1082;
	[sflag:s4] =	ssyncset.s32 $0xFFFFF086  }
0x25: {  	[simem:s6], [sflag:s4] =	dma.local [hbm:s3], $0xF7A  }
0x26: {  	[smem:$0x3F81] =	sst s1;
	(tag) =	ssettag s2;
	_ =	strace s9  }
0x27: {  	s1 =	sld [smem:$0x3F91]  }
0x28: {  	s2 =	sld [smem:$0x3F92]  }
0x29: {  	s4 =	sld [smem:$0x3F94]  }
0x2a: {  	p0 =	seq.s32 s5, $0x0;
	s5 =	sld [smem:$0x3F95]  }
0x2b: {  	s6 =	sld [smem:$0x3F96]  }
0x2c: {  	s7 =	sld [smem:$0x3F97]  }
0x2d: {  	s3 =	simm.s32 $0x108;
	s8 =	sld [smem:$0x3F98]  }
0x2e: {  	s3 =	simm.s32 @!p0 $0x1082;
	s9 =	sld [smem:$0x3F99]  }
0x2f: {  	lr =	sadd.s32 s0, s3;
	s0 =	sld [smem:$0x3F90]  }
0x30: {  	s3 =	sld [smem:$0x3F93]  }
0x31: {  	[smem:$0x3F9C] =	sst s10  }
0x32: {  	s10 =	sld [smem:$0x3F9A];
	_ =	sdelay $0x3  }
0x33: {  	p0 =	seq.s32 s10, $0x1;
	s10 =	sld [smem:$0x3F9C];
	_ =	sdelay $0x3  }
0x34: {  	[smem:$0x3F9C] =	sst s10  }
0x35: {  	s10 =	sld [smem:$0x3F9B];
	_ =	sdelay $0x3  }
0x36: {  	p1 =	seq.s32 s10, $0x1;
	s10 =	sld [smem:$0x3F9C];
	_ =	sdelay $0x3  }
0x37: {  	[smem:$0x3F9C] =	sst s10  }
0x38: {  	s10 =	sld [smem:$0x3F9D]  }
0x39: {  	_ = 	snop;
	(pc) =	sbr.ind lr, $3  }
0x3a: {  	_ = 	snop  }
0x3b: {  	_ = 	snop  }
0x3c: {  	p2 =	seq.s32 s10, $0x1;
	s10 =	sld [smem:$0x3F9C]  }
0x3d: {  	_ =	shalt  }
0x3e: {  	_ =	shalt  }
0x3f: {  	_ =	shalt  }
0x40: {  	_ =	shalt  }
0x41: {  	_ =	shalt  }
0x42: {  	_ =	shalt  }
0x43: {  	_ =	shalt  }
0x44: {  	_ =	shalt  }
0x45: {  	_ =	shalt  }
0x46: {  	_ =	shalt  }
0x47: {  	_ =	shalt  }
0x48: {  	_ =	shalt  }
0x49: {  	_ =	shalt  }
0x4a: {  	_ =	shalt  }
0x4b: {  	_ =	shalt  }
0x4c: {  	_ =	shalt  }
0x4d: {  	_ =	shalt  }
0x4e: {  	_ =	shalt  }
0x4f: {  	_ =	shalt  }
0x50: {  	_ =	shalt  }
0x51: {  	_ =	shalt  }
0x52: {  	_ =	shalt  }
0x53: {  	_ =	shalt  }
0x54: {  	_ =	shalt  }
0x55: {  	_ =	shalt  }
0x56: {  	_ =	shalt  }
0x57: {  	_ =	shalt  }
0x58: {  	_ =	shalt  }
0x59: {  	_ =	shalt  }
0x5a: {  	_ =	shalt  }
0x5b: {  	_ =	shalt  }
0x5c: {  	_ =	shalt  }
0x5d: {  	_ =	shalt  }
0x5e: {  	_ =	shalt  }
0x5f: {  	_ =	shalt  }
0x60: {  	_ =	shalt  }
0x61: {  	_ =	shalt  }
0x62: {  	_ =	shalt  }
0x63: {  	_ =	shalt  }
0x64: {  	_ =	shalt  }
0x65: {  	_ =	shalt  }
0x66: {  	_ =	shalt  }
0x67: {  	_ =	shalt  }
0x68: {  	_ =	shalt  }
0x69: {  	_ =	shalt  }
0x6a: {  	_ =	shalt  }
0x6b: {  	_ =	shalt  }
0x6c: {  	_ =	shalt  }
0x6d: {  	_ =	shalt  }
0x6e: {  	_ =	shalt  }
0x6f: {  	_ =	shalt  }
0x70: {  	_ =	shalt  }
0x71: {  	_ =	shalt  }
0x72: {  	_ =	shalt  }
0x73: {  	_ =	shalt  }
0x74: {  	_ =	shalt  }
0x75: {  	_ =	shalt  }
0x76: {  	_ =	shalt  }
0x77: {  	_ =	shalt  }
0x78: {  	_ =	shalt  }
0x79: {  	_ =	shalt  }
0x7a: {  	_ =	shalt  }
0x7b: {  	_ =	shalt  }
0x7c: {  	_ =	shalt  }
0x7d: {  	_ =	shalt  }
0x7e: {  	_ =	shalt  }
0x7f: {  	_ =	shalt  }
0x80: {  	_ =	shalt  }
0x81: {  	_ =	shalt  }
0x82: {  	_ =	shalt  }
0x83: {  	_ =	shalt  }
0x84: {  	_ =	shalt  }
0x85: {  	_ =	shalt  }
0x86: {  	_ =	shalt  }
0x87: {  	_ =	shalt  }
.Lfunc_end0:
.L_simem_size_0:
called_computation.1_lowered:
.L_overlay_start_0:
0x88: {  	s2 =	sld [smem:$0x3FD9]  }
0x89: {  	s3 =	sld [smem:$0x3FFE];
	_ =	sdelay $0x1  }
0x8a: {  	s1 =	srdreg.scid  }
0x8b: {  	s0 =	sand.u32 $0x1, s1  }
0x8c: {  	s16 =	sshll.u32 s0, $0xA;
	s2 =	sadd.s32 s3, s2  }
0x8d: {  	s2 =	sadd.s32 s2, s16  }
0x8e: {  	[smem:$0x3FA8] =	sst s2  }
0x8f: {  	_ = 	snop  }
0x90: {  	(tm) =	ssettm $0x1  }
0x91: {  	s17 =	sld [smem:$0x3FFB];
	_ =	sdelay $0x3  }
0x92: {  	_ =	strace s17  }
0x93: {  	s2 =	sld [smem:$0x3FFC];
	_ =	sdelay $0x3  }
0x94: {  	_ =	strace s2  }
0x95: {  	s2 =	sld [smem:$0x3FFD];
	_ =	sdelay $0x3  }
0x96: {  	_ =	strace s2  }
0x97: {  	_ =	strace $0x8FFFFFFF  }
0x98: {  	s18 =	sld [smem:$0x3FDB];
	_ =	sdelay $0x1  }
0x99: {  	s19 =	simm.s32 $_scs_section_size  }
0x9a: {  	s4 =	simm.s32 $_size__tile_overlayer_lowered;
	s5 =	simm.s32 $_tile_overlayer_lowered  }
0x9b: {  	s22 =	simm.s32 $0x1BFF;
	s21 =	sshll.u32 s5, $0x1;
	s2 =	sadd.s32 s19, s18  }
0x9c: {  	s6 =	simm.s32 $0x0;
	s20 =	sshll.u32 s4, $0x1;
	s4 =	sadd.s32 s21, s2  }
0x9d: {  	[timem:s6], [sflag:s22] =	dma.local [hbm:s4], s20  }
0x9e: {  	_ =	swait.ge [sflag:s22], s20  }
0x9f: {  	s3 =	ssub.s32 $0x0, s20;
	[sflag:s22] =	ssyncset.done $0x0  }
0xa0: {  	[sflag:s22] =	ssyncadd.s32 s3;
	_ =	sdelay $0x1  }
0xa1: {  	s23 =	simm.s32 $0x1B8B  }
0xa2: {  	_ =	swait.ge [sflag:s23], $0x1  }
0xa3: {  	[sflag:s23] =	ssyncset.done $0x0  }
0xa4: {  	s25 =	simm.s32 $0x1B8E;
	s24 =	sld [smem:$0x3FFE];
	[sflag:s23] =	ssyncadd.s32 $0xFFFFFFFF  }
0xa5: {  	s26 =	simm.s32 $execute0_lowered;
	[smem:$0x3FD2] =	sst s25  }
0xa6: {  	s4 =	sshll.u32 s26, $0x1;
	_ =	strace $0x80000049;
	[dreg:$0x1] =	wrdreg $0xFFFFFFFF  }
0xa7: {  	s28 =	simm.s32 $_size_execute0_lowered;
	s2 =	sadd.s32 s2, s4;
	[dreg:$0x0] =	wrdreg $0x0  }
0xa8: {  	s4 =	sshll.u32 s28, $0x1;
	[dreg:$0x2] =	wrdreg s2  }
0xa9: {  	[dreg:$0x3] =	wrdreg s4  }
0xaa: {  	[dreg:$0x4] =	wrdreg $0xC0  }
0xab: {  	_ =	task [dreg:s6], $0x5FFFF  }
0xac: {  	[dreg:$0x1] =	wrdreg $0xFFFFFFFF  }
0xad: {  	[dreg:$0x0] =	wrdreg $0x60  }
0xae: {  	[dreg:$0x2] =	wrdreg s24  }
0xaf: {  	[dreg:$0x3] =	wrdreg $0x9  }
0xb0: {  	_ =	task.clear_ibuf [dreg:s6], $0x4FFFF;
	_ =	strace $0x90000049  }
0xb1: {  	s29 =	simm.s32 $0x9;
	_ =	strace $0x8000004B  }
0xb2: {  	_ =	swait.ge [sflag:s29], $0x1  }
0xb3: {  	[sflag:s29] =	ssyncadd.s32 $0xFFFFFFFF  }
0xb4: {  	_ =	strace $0x9000004B  }
0xb5: {  	_ =	sfence  }
0xb6: {  	s30 =	sld [smem:$0x0];
	_ =	sdelay $0x2  }
0xb7: {  	s31 =	sshll.u32 s1, $0xD;
	s1 =	sshrl.u32 s1, $0x2  }
0xb8: {  	s3 =	sand.u32 $0x4000, s31;
	s1 =	sadd.s32 s1, s30  }
0xb9: {  	s0 =	sor.u32 s3, s0;
	s1 =	sshll.u32 s1, $0x11  }
0xba: {  	s0 =	sor.u32 s1, s0  }
0xbb: {  	s0 =	sadd.s32 $0x8F2B, s0  }
0xbc: {  	[sflag:s0] =	ssyncadd.remote.s32 $0x1  }
0xbd: {  	_ =	sfence.sel $0xFFFF  }
0xbe: {  	[dreg:$0x0] =	wrdreg $0xFFFFFFFF;
	(pc) =	sbr.abs _section_cstart, $3  }
0xbf: {  	[dreg:$0x1] =	wrdreg $0xFFFFFFFF  }
0xc0: {  	_ =	task.clear_ibuf [dreg:s6], $0x2FFFF;
	_ =	strace $0x9FFFFFFF  }
0xc1: {  	(tm) =	ssettm $0x7FFFFFFF  }
tec
execute0_lowered:
.L_overlay_start_1:
0x0: {  	(tag) =	ssettag $0x1  }
0x1: {  	s1 =	srdreg.scid;
	s0 =	stileid.u32  }
0x2: {  	s18 =	sand.u32 $0x1, s1;
	s29 =	sshll.u32 s0, $0x1  }
0x3: {  	s19 =	sor.u32 s18, s29  }
0x4: {  	s20 =	rddreg [dreg:$0x0];
	s3 =	smul.u32 $0x54, s19  }
0x5: {  	s2 =	simm.s32 $0x0;
	s1 =	rddreg [dreg:$0x1]  }
0x6: {  	[smem:$0x7FF] =	sst s2;
	s3 =	sadd.s32 s3, s20  }
0x7: {  	_ =	strace $0x8000004A;
	s4 =	sadd.s32 $0x5E00, s3;
	s3 =	simm.s32 $0x2  }
0x8: {  	[tilespmem:s2], [sflag:$0x2] =	stream.linear.gather [hbm4b:s4+s2], $0x2A0, $0x38;
	[tilespmem:$0x15300] =	vst v63  }
0x9: {  	_ =	swait.ge [sflag:s3], $0x2A0  }
0xa: {  	s6 =	simm.s32 $0x70;
	[sflag:s3] =	ssyncset.done $0x0  }
0xb: {  	s7 =	simm.s32 $0x300;
	s5 =	sadd.s32 $0x27DE00, s20;
	[sflag:s3] =	ssyncadd.s32 $0xFFFFFD60  }
0xc: {  	[tilespmem:s7], [sflag:$0x1] =	stream.indirect.gather [hbm4b:s5+s6], $0x80, s2, s6, $0xb8;
	[tilespmem:$0x15300] =	vst v63  }
0xd: {  	s8 =	simm.s32 $0x3B00  }
0xe: {  	[tilespmem:s8], [sflag:$0x1] =	stream.indirect.gather [hbm4b:s5+s6], $0x80, s6, s6, $0xb8;
	[tilespmem:$0x15300] =	vst v63  }
0xf: {  	s9 =	simm.s32 $0xE0;
	s10 =	simm.s32 $0x7300  }
0x10: {  	[tilespmem:s10], [sflag:$0x1] =	stream.indirect.gather [hbm4b:s5+s6], $0x80, s9, s6, $0xb8;
	[tilespmem:$0x15300] =	vst v63  }
0x11: {  	s11 =	simm.s32 $0x150;
	s12 =	simm.s32 $0xAB00  }
0x12: {  	[tilespmem:s12], [sflag:$0x1] =	stream.indirect.gather [hbm4b:s5+s6], $0x80, s11, s6, $0xb8;
	[tilespmem:$0x15300] =	vst v63  }
0x13: {  	s13 =	simm.s32 $0x1C0;
	s14 =	simm.s32 $0xE300  }
0x14: {  	[tilespmem:s14], [sflag:$0x1] =	stream.indirect.gather [hbm4b:s5+s6], $0x80, s13, s6, $0xb8;
	[tilespmem:$0x15300] =	vst v63  }
0x15: {  	s15 =	simm.s32 $0x230;
	s16 =	simm.s32 $0x11B00;
	s17 =	simm.s32 $0x1  }
0x16: {  	[tilespmem:s16], [sflag:$0x1] =	stream.indirect.gather [hbm4b:s5+s6], $0x80, s15, s6, $0xb8;
	[tilespmem:$0x15300] =	vst v63  }
0x17: {  	_ =	swait.ge [sflag:s17], $0x3800  }
0x18: {  	[sflag:s17] =	ssyncset.done $0x0  }
0x19: {  	[sflag:s17] =	ssyncadd.s32 $0xFFFFC800  }
0x1a: {  	_ =	swait.ge [sflag:s17], $0x3800  }
0x1b: {  	[sflag:s17] =	ssyncset.done $0x0  }
0x1c: {  	[sflag:s17] =	ssyncadd.s32 $0xFFFFC800  }
0x1d: {  	_ =	swait.ge [sflag:s17], $0x3800  }
0x1e: {  	[sflag:s17] =	ssyncset.done $0x0  }
0x1f: {  	[sflag:s17] =	ssyncadd.s32 $0xFFFFC800  }
0x20: {  	_ =	swait.ge [sflag:s17], $0x3800  }
0x21: {  	[sflag:s17] =	ssyncset.done $0x0  }
0x22: {  	s18 =	ssub.s32 $0x2, s18;
	[sflag:s17] =	ssyncadd.s32 $0xFFFFC800  }
0x23: {  	s21 =	sshrl.u32 s18, $0x1;
	_ =	swait.ge [sflag:s17], $0x3800  }
0x24: {  	s30 =	ssub.s32 s18, s21;
	[sflag:s17] =	ssyncset.done $0x0  }
0x25: {  	s19 =	smul.u32 $0x2A00, s19;
	s31 =	smax.u32 s30, $0x1;
	[sflag:s17] =	ssyncadd.s32 $0xFFFFC800  }
0x26: {  	p0 =	sne.s32 s31, $0x1;
	_ =	swait.ge [sflag:s17], $0x3800  }
.Ltmp0:
0x27: {  	s19 =	sadd.s32 s19, s20;
	[sflag:s17] =	ssyncset.done $0x0;
	(pc) =	sbr.rel @!p0 .LBB2_2-.Ltmp0, $4  }
0x28: {  	s18 =	sadd.s32 $0x6A00, s19;
	[sflag:s17] =	ssyncadd.s32 $0xFFFFC800  }
0x29: {  	[hbm4b:s18+s2] =	stream.linear.scatter [tilespmem:s7], [sflag:$0x2], $0x15000, $0x38;
	[tilespmem:$0x15300] =	vst v63  }
0x2a: {  	_ =	swait.ge [sflag:s3], $0x15000  }
0x2b: {  	s19 =	sadd.s32 $0xFFFFFFFF, s31;
	[sflag:s3] =	ssyncset.done $0x0  }
.LBB2_1:
0x2c: {  	p0 =	sne.s32 s19, $0x1;
	s19 =	sadd.s32 $0xFFFFFFFF, s19;
	[sflag:s3] =	ssyncadd.s32 $0xFFFEB000  }
0x2d: {  	[tilespmem:s2], [sflag:$0x2] =	stream.linear.gather [hbm4b:s4+s2], $0x2A0, $0x38;
	[tilespmem:$0x15300] =	vst v63  }
0x2e: {  	_ =	swait.ge [sflag:s3], $0x2A0  }
0x2f: {  	[sflag:s3] =	ssyncset.done $0x0  }
0x30: {  	[sflag:s3] =	ssyncadd.s32 $0xFFFFFD60  }
0x31: {  	[tilespmem:s7], [sflag:$0x1] =	stream.indirect.gather [hbm4b:s5+s6], $0x80, s2, s6, $0xb8;
	[tilespmem:$0x15300] =	vst v63  }
0x32: {  	_ = 	snop  }
0x33: {  	[tilespmem:s8], [sflag:$0x1] =	stream.indirect.gather [hbm4b:s5+s6], $0x80, s6, s6, $0xb8;
	[tilespmem:$0x15300] =	vst v63  }
0x34: {  	_ = 	snop  }
0x35: {  	[tilespmem:s10], [sflag:$0x1] =	stream.indirect.gather [hbm4b:s5+s6], $0x80, s9, s6, $0xb8;
	[tilespmem:$0x15300] =	vst v63  }
0x36: {  	_ = 	snop  }
0x37: {  	[tilespmem:s12], [sflag:$0x1] =	stream.indirect.gather [hbm4b:s5+s6], $0x80, s11, s6, $0xb8;
	[tilespmem:$0x15300] =	vst v63  }
0x38: {  	_ = 	snop  }
0x39: {  	[tilespmem:s14], [sflag:$0x1] =	stream.indirect.gather [hbm4b:s5+s6], $0x80, s13, s6, $0xb8;
	[tilespmem:$0x15300] =	vst v63  }
0x3a: {  	_ = 	snop  }
0x3b: {  	[tilespmem:s16], [sflag:$0x1] =	stream.indirect.gather [hbm4b:s5+s6], $0x80, s15, s6, $0xb8;
	[tilespmem:$0x15300] =	vst v63  }
0x3c: {  	_ =	swait.ge [sflag:s17], $0x3800  }
0x3d: {  	[sflag:s17] =	ssyncset.done $0x0  }
0x3e: {  	[sflag:s17] =	ssyncadd.s32 $0xFFFFC800  }
0x3f: {  	_ =	swait.ge [sflag:s17], $0x3800  }
0x40: {  	[sflag:s17] =	ssyncset.done $0x0  }
0x41: {  	[sflag:s17] =	ssyncadd.s32 $0xFFFFC800  }
0x42: {  	_ =	swait.ge [sflag:s17], $0x3800  }
0x43: {  	[sflag:s17] =	ssyncset.done $0x0  }
0x44: {  	[sflag:s17] =	ssyncadd.s32 $0xFFFFC800  }
0x45: {  	_ =	swait.ge [sflag:s17], $0x3800  }
0x46: {  	[sflag:s17] =	ssyncset.done $0x0  }
0x47: {  	[sflag:s17] =	ssyncadd.s32 $0xFFFFC800  }
0x48: {  	_ =	swait.ge [sflag:s17], $0x3800  }
0x49: {  	[sflag:s17] =	ssyncset.done $0x0  }
0x4a: {  	[sflag:s17] =	ssyncadd.s32 $0xFFFFC800  }
0x4b: {  	_ =	swait.ge [sflag:s17], $0x3800  }
.Ltmp1:
0x4c: {  	[sflag:s17] =	ssyncset.done $0x0;
	(pc) =	sbr.rel @p0 .LBB2_1-.Ltmp1, $4  }
0x4d: {  	[sflag:s17] =	ssyncadd.s32 $0xFFFFC800  }
0x4e: {  	[hbm4b:s18+s2] =	stream.linear.scatter [tilespmem:s7], [sflag:$0x2], $0x15000, $0x38;
	[tilespmem:$0x15300] =	vst v63  }
0x4f: {  	_ =	swait.ge [sflag:s3], $0x15000  }
0x50: {  	[sflag:s3] =	ssyncset.done $0x0  }
.LBB2_2:
0x51: {  	[sflag:s3] =	ssyncadd.s32 $0xFFFEB000  }
0x52: {  	_ =	sfence.sel $0x180000  }
0x53: {  	[bflag:$0x0] =	sbarrier.arrive $0xFFFF  }
0x54: {  	p0 =	sne.s32 s0, $0x0;
	_ =	strace $0x9000004A  }
0x55: {  	s0 =	sadd.s32 @!p0 $0x100000, s1;
	[bflag:$0x2] =	sbarrier.arrive $0xFFFF  }
0x56: {  	[sflag:s0] =	ssyncadd.tile.s32 @!p0 $0x1;
	_ =	shalt  }
.Lfunc_end2:
_tile_overlayer_lowered:
.L_overlay_start_2:
0x57: {  	(tag) =	ssettag $0x2  }
0x58: {  	s0 =	rddreg [dreg:$0x0];
	s2 =	stileid.u32  }
0x59: {  	s1 =	rddreg [dreg:$0x1];
	p0 =	sne.s32 s2, $0x0  }
0x5a: {  	s3 =	rddreg [dreg:$0x2];
	[bflag:$0x3] =	sbarrier.arrive $0xFFFF;
	s2 =	simm.s32 @!p0 $0x1C02  }
0x5b: {  	[timem:s3], [sflag:s2] =	dma.local @!p0 [hbm:s0], s1  }
0x5c: {  	s0 =	simm.s32 @!p0 $0x2  }
0x5d: {  	_ =	swait.ge @!p0 [sflag:s0], s1  }
0x5e: {  	s1 =	ssub.s32 @!p0 $0x0, s1;
	[sflag:s0] =	ssyncset.done @!p0 $0x0  }
0x5f: {  	[sflag:s0] =	ssyncadd.s32 @!p0 s1  }
0x60: {  	[bflag:$0x3] =	sbarrier.arrive $0xFFFF  }
0x61: {  	_ =	shalt  }

// kernel: kernel.15.cloned.1.call-start
scs
__scs_entry_jumppad:
0x0: {  	(pc) =	sbr.rel $0x88, $3  }
0x1: {  	(tag) =	ssettag $0x0;
	lr =	simm.s32 $0x1  }
0x2: {  	[smem:$0x3F81] =	sst lr;
	_ =	strace $0xD0000000  }
0x3: {  	_ = 	snop  }
0x4: {  	_ = 	snop  }
0x5: {  	_ = 	snop  }
0x6: {  	_ = 	snop  }
0x7: {  	_ = 	snop  }
__scs_overlays_trampoline_lowered:
0x8: {  	[smem:$0x3F90] =	sst s0  }
0x9: {  	[smem:$0x3F91] =	sst s1  }
0xa: {  	[smem:$0x3F92] =	sst s2  }
0xb: {  	[smem:$0x3F93] =	sst s3  }
0xc: {  	[smem:$0x3F94] =	sst s4  }
0xd: {  	[smem:$0x3F95] =	sst s5  }
0xe: {  	[smem:$0x3F96] =	sst s6  }
0xf: {  	[smem:$0x3F97] =	sst s7  }
0x10: {  	[smem:$0x3F98] =	sst s8  }
0x11: {  	[smem:$0x3F99] =	sst s9;
	s0 =	simm.s32 @!p0 $0x0  }
0x12: {  	s1 =	sld [smem:$0x3F7F];
	s0 =	simm.s32 @p0 $0x1  }
0x13: {  	[smem:$0x3F9A] =	sst s0;
	s0 =	simm.s32 @!p1 $0x0  }
0x14: {  	s2 =	sld [smem:$0x3F7E];
	s0 =	simm.s32 @p1 $0x1  }
0x15: {  	[smem:$0x3F9B] =	sst s0;
	s0 =	simm.s32 @!p2 $0x0  }
0x16: {  	s3 =	sld [smem:$0x3FDB];
	s0 =	simm.s32 @p2 $0x1  }
0x17: {  	s4 =	simm.s32 $0x1BF5;
	[smem:$0x3F9D] =	sst s0  }
0x18: {  	s0 =	sld [smem:$0x3F80];
	_ =	swait.ge [sflag:s4], $0x0  }
0x19: {  	s7 =	sld [smem:$0x3F81]  }
0x1a: {  	s8 =	sadd.s32 $0xFFFFE003, lr  }
0x1b: {  	s9 =	sadd.s32 $0xFFFFFEF7, lr;
	s5 =	simm.s32 $0xFFFFFFFF;
	p2 =	slt.u32 s8, $0xFFFFF086  }
0x1c: {  	p1 =	slt.u32 s9, $0xF7A;
	s5 =	simm.s32 @!p2 $0x0  }
0x1d: {  	s5 =	simm.s32 @p1 $0x1;
	p0 =	seq.s32 s7, s2  }
0x1e: {  	s7 =	smul.u32 @!p0 $0xF7A, s2;
	p2 =	seq.s32 @!p0 s5, $0x0  }
0x1f: {  	s9 =	smul.u32 $0xF7A, s1;
	s8 =	simm.s32 @!p0 $0x1BF5;
	p2 =	por !p2, p0  }
0x20: {  	[sflag:s8] =	ssyncset.s32 @!p0 $0xFFFFF086;
	s6 =	sadd.s32 @!p0 s3, s7;
	s7 =	simm.s32 @!p0 $0x108  }
0x21: {  	s3 =	sadd.s32 s3, s9;
	s6 =	sadd.s32 @!p0 $0x88, s6;
	s7 =	simm.s32 @p2 $0x1082  }
0x22: {  	[simem:s7], [sflag:s8] =	dma.local @!p0 [hbm:s6], $0xF7A  }
0x23: {  	s9 =	sor.u32 $0xD0000000, s2;
	s6 =	simm.s32 $0x108;
	_ =	swait.ge @!p0 [sflag:s8], $0x0  }
0x24: {  	s3 =	sadd.s32 $0x88, s3;
	s6 =	simm.s32 @!p1 $0x1082;
	[sflag:s4] =	ssyncset.s32 $0xFFFFF086  }
0x25: {  	[simem:s6], [sflag:s4] =	dma.local [hbm:s3], $0xF7A  }
0x26: {  	[smem:$0x3F81] =	sst s1;
	(tag) =	ssettag s2;
	_ =	strace s9  }
0x27: {  	s1 =	sld [smem:$0x3F91]  }
0x28: {  	s2 =	sld [smem:$0x3F92]  }
0x29: {  	s4 =	sld [smem:$0x3F94]  }
0x2a: {  	p0 =	seq.s32 s5, $0x0;
	s5 =	sld [smem:$0x3F95]  }
0x2b: {  	s6 =	sld [smem:$0x3F96]  }
0x2c: {  	s7 =	sld [smem:$0x3F97]  }
0x2d: {  	s3 =	simm.s32 $0x108;
	s8 =	sld [smem:$0x3F98]  }
0x2e: {  	s3 =	simm.s32 @!p0 $0x1082;
	s9 =	sld [smem:$0x3F99]  }
0x2f: {  	lr =	sadd.s32 s0, s3;
	s0 =	sld [smem:$0x3F90]  }
0x30: {  	s3 =	sld [smem:$0x3F93]  }
0x31: {  	[smem:$0x3F9C] =	sst s10  }
0x32: {  	s10 =	sld [smem:$0x3F9A];
	_ =	sdelay $0x3  }
0x33: {  	p0 =	seq.s32 s10, $0x1;
	s10 =	sld [smem:$0x3F9C];
	_ =	sdelay $0x3  }
0x34: {  	[smem:$0x3F9C] =	sst s10  }
0x35: {  	s10 =	sld [smem:$0x3F9B];
	_ =	sdelay $0x3  }
0x36: {  	p1 =	seq.s32 s10, $0x1;
	s10 =	sld [smem:$0x3F9C];
	_ =	sdelay $0x3  }
0x37: {  	[smem:$0x3F9C] =	sst s10  }
0x38: {  	s10 =	sld [smem:$0x3F9D]  }
0x39: {  	_ = 	snop;
	(pc) =	sbr.ind lr, $3  }
0x3a: {  	_ = 	snop  }
0x3b: {  	_ = 	snop  }
0x3c: {  	p2 =	seq.s32 s10, $0x1;
	s10 =	sld [smem:$0x3F9C]  }
0x3d: {  	_ =	shalt  }
0x3e: {  	_ =	shalt  }
0x3f: {  	_ =	shalt  }
0x40: {  	_ =	shalt  }
0x41: {  	_ =	shalt  }
0x42: {  	_ =	shalt  }
0x43: {  	_ =	shalt  }
0x44: {  	_ =	shalt  }
0x45: {  	_ =	shalt  }
0x46: {  	_ =	shalt  }
0x47: {  	_ =	shalt  }
0x48: {  	_ =	shalt  }
0x49: {  	_ =	shalt  }
0x4a: {  	_ =	shalt  }
0x4b: {  	_ =	shalt  }
0x4c: {  	_ =	shalt  }
0x4d: {  	_ =	shalt  }
0x4e: {  	_ =	shalt  }
0x4f: {  	_ =	shalt  }
0x50: {  	_ =	shalt  }
0x51: {  	_ =	shalt  }
0x52: {  	_ =	shalt  }
0x53: {  	_ =	shalt  }
0x54: {  	_ =	shalt  }
0x55: {  	_ =	shalt  }
0x56: {  	_ =	shalt  }
0x57: {  	_ =	shalt  }
0x58: {  	_ =	shalt  }
0x59: {  	_ =	shalt  }
0x5a: {  	_ =	shalt  }
0x5b: {  	_ =	shalt  }
0x5c: {  	_ =	shalt  }
0x5d: {  	_ =	shalt  }
0x5e: {  	_ =	shalt  }
0x5f: {  	_ =	shalt  }
0x60: {  	_ =	shalt  }
0x61: {  	_ =	shalt  }
0x62: {  	_ =	shalt  }
0x63: {  	_ =	shalt  }
0x64: {  	_ =	shalt  }
0x65: {  	_ =	shalt  }
0x66: {  	_ =	shalt  }
0x67: {  	_ =	shalt  }
0x68: {  	_ =	shalt  }
0x69: {  	_ =	shalt  }
0x6a: {  	_ =	shalt  }
0x6b: {  	_ =	shalt  }
0x6c: {  	_ =	shalt  }
0x6d: {  	_ =	shalt  }
0x6e: {  	_ =	shalt  }
0x6f: {  	_ =	shalt  }
0x70: {  	_ =	shalt  }
0x71: {  	_ =	shalt  }
0x72: {  	_ =	shalt  }
0x73: {  	_ =	shalt  }
0x74: {  	_ =	shalt  }
0x75: {  	_ =	shalt  }
0x76: {  	_ =	shalt  }
0x77: {  	_ =	shalt  }
0x78: {  	_ =	shalt  }
0x79: {  	_ =	shalt  }
0x7a: {  	_ =	shalt  }
0x7b: {  	_ =	shalt  }
0x7c: {  	_ =	shalt  }
0x7d: {  	_ =	shalt  }
0x7e: {  	_ =	shalt  }
0x7f: {  	_ =	shalt  }
0x80: {  	_ =	shalt  }
0x81: {  	_ =	shalt  }
0x82: {  	_ =	shalt  }
0x83: {  	_ =	shalt  }
0x84: {  	_ =	shalt  }
0x85: {  	_ =	shalt  }
0x86: {  	_ =	shalt  }
0x87: {  	_ =	shalt  }
.Lfunc_end0:
.L_simem_size_0:
called_computation.2_lowered:
.L_overlay_start_0:
0x88: {  	s2 =	sld [smem:$0x3FD9]  }
0x89: {  	s3 =	sld [smem:$0x3FFE];
	_ =	sdelay $0x1  }
0x8a: {  	s1 =	srdreg.scid  }
0x8b: {  	s0 =	sand.u32 $0x1, s1  }
0x8c: {  	s16 =	sshll.u32 s0, $0xA;
	s2 =	sadd.s32 s3, s2  }
0x8d: {  	s2 =	sadd.s32 s2, s16  }
0x8e: {  	[smem:$0x3FA8] =	sst s2  }
0x8f: {  	_ = 	snop  }
0x90: {  	(tm) =	ssettm $0x1  }
0x91: {  	s17 =	sld [smem:$0x3FFB];
	_ =	sdelay $0x3  }
0x92: {  	_ =	strace s17  }
0x93: {  	s2 =	sld [smem:$0x3FFC];
	_ =	sdelay $0x3  }
0x94: {  	_ =	strace s2  }
0x95: {  	s2 =	sld [smem:$0x3FFD];
	_ =	sdelay $0x3  }
0x96: {  	_ =	strace s2  }
0x97: {  	_ =	strace $0x8FFFFFFF  }
0x98: {  	s18 =	sld [smem:$0x3FDB];
	_ =	sdelay $0x1  }
0x99: {  	s19 =	simm.s32 $_scs_section_size  }
0x9a: {  	s4 =	simm.s32 $_size__tile_overlayer_lowered;
	s5 =	simm.s32 $_tile_overlayer_lowered  }
0x9b: {  	s22 =	simm.s32 $0x1BFF;
	s21 =	sshll.u32 s5, $0x1;
	s2 =	sadd.s32 s19, s18  }
0x9c: {  	s6 =	simm.s32 $0x0;
	s20 =	sshll.u32 s4, $0x1;
	s4 =	sadd.s32 s21, s2  }
0x9d: {  	[timem:s6], [sflag:s22] =	dma.local [hbm:s4], s20  }
0x9e: {  	_ =	swait.ge [sflag:s22], s20  }
0x9f: {  	s3 =	ssub.s32 $0x0, s20;
	[sflag:s22] =	ssyncset.done $0x0  }
0xa0: {  	[sflag:s22] =	ssyncadd.s32 s3;
	_ =	sdelay $0x1  }
0xa1: {  	s23 =	simm.s32 $0x1B8B  }
0xa2: {  	_ =	swait.ge [sflag:s23], $0x1  }
0xa3: {  	[sflag:s23] =	ssyncset.done $0x0  }
0xa4: {  	s25 =	simm.s32 $0x1B8E;
	s24 =	sld [smem:$0x3FFE];
	[sflag:s23] =	ssyncadd.s32 $0xFFFFFFFF  }
0xa5: {  	s26 =	simm.s32 $execute0_lowered;
	[smem:$0x3FD2] =	sst s25  }
0xa6: {  	s4 =	sshll.u32 s26, $0x1;
	_ =	strace $0x8000004C;
	[dreg:$0x1] =	wrdreg $0xFFFFFFFF  }
0xa7: {  	s28 =	simm.s32 $_size_execute0_lowered;
	s2 =	sadd.s32 s2, s4;
	[dreg:$0x0] =	wrdreg $0x0  }
0xa8: {  	s4 =	sshll.u32 s28, $0x1;
	[dreg:$0x2] =	wrdreg s2  }
0xa9: {  	[dreg:$0x3] =	wrdreg s4  }
0xaa: {  	[dreg:$0x4] =	wrdreg $0xC0  }
0xab: {  	_ =	task [dreg:s6], $0x5FFFF  }
0xac: {  	[dreg:$0x1] =	wrdreg $0xFFFFFFFF  }
0xad: {  	[dreg:$0x0] =	wrdreg $0x60  }
0xae: {  	[dreg:$0x2] =	wrdreg s24  }
0xaf: {  	[dreg:$0x3] =	wrdreg $0x9  }
0xb0: {  	_ =	task.clear_ibuf [dreg:s6], $0x4FFFF;
	_ =	strace $0x9000004C  }
0xb1: {  	s29 =	simm.s32 $0x9;
	_ =	strace $0x8000004E  }
0xb2: {  	_ =	swait.ge [sflag:s29], $0x1  }
0xb3: {  	[sflag:s29] =	ssyncadd.s32 $0xFFFFFFFF  }
0xb4: {  	_ =	strace $0x9000004E  }
0xb5: {  	_ =	sfence  }
0xb6: {  	s30 =	sld [smem:$0x0];
	_ =	sdelay $0x2  }
0xb7: {  	s31 =	sshll.u32 s1, $0xD;
	s1 =	sshrl.u32 s1, $0x2  }
0xb8: {  	s3 =	sand.u32 $0x4000, s31;
	s1 =	sadd.s32 s1, s30  }
0xb9: {  	s0 =	sor.u32 s3, s0;
	s1 =	sshll.u32 s1, $0x11  }
0xba: {  	s0 =	sor.u32 s1, s0  }
0xbb: {  	s0 =	sadd.s32 $0x8F2B, s0  }
0xbc: {  	[sflag:s0] =	ssyncadd.remote.s32 $0x1  }
0xbd: {  	_ =	sfence.sel $0xFFFF  }
0xbe: {  	[dreg:$0x0] =	wrdreg $0xFFFFFFFF;
	(pc) =	sbr.abs _section_cstart, $3  }
0xbf: {  	[dreg:$0x1] =	wrdreg $0xFFFFFFFF  }
0xc0: {  	_ =	task.clear_ibuf [dreg:s6], $0x2FFFF;
	_ =	strace $0x9FFFFFFF  }
0xc1: {  	(tm) =	ssettm $0x7FFFFFFF  }
tec
execute0_lowered:
.L_overlay_start_1:
0x0: {  	(tag) =	ssettag $0x1  }
0x1: {  	s1 =	srdreg.scid;
	s0 =	stileid.u32  }
0x2: {  	s18 =	sand.u32 $0x1, s1;
	s29 =	sshll.u32 s0, $0x1  }
0x3: {  	s19 =	sor.u32 s18, s29  }
0x4: {  	s20 =	rddreg [dreg:$0x0];
	s3 =	smul.u32 $0x54, s19  }
0x5: {  	s2 =	simm.s32 $0x0;
	s1 =	rddreg [dreg:$0x1]  }
0x6: {  	[smem:$0x7FF] =	sst s2;
	s3 =	sadd.s32 s3, s20  }
0x7: {  	_ =	strace $0x8000004D;
	s4 =	sadd.s32 $0x5E00, s3;
	s3 =	simm.s32 $0x2  }
0x8: {  	[tilespmem:s2], [sflag:$0x2] =	stream.linear.gather [hbm4b:s4+s2], $0x2A0, $0x38;
	[tilespmem:$0x15300] =	vst v63  }
0x9: {  	_ =	swait.ge [sflag:s3], $0x2A0  }
0xa: {  	s6 =	simm.s32 $0x70;
	[sflag:s3] =	ssyncset.done $0x0  }
0xb: {  	s7 =	simm.s32 $0x300;
	s5 =	sadd.s32 $0x765E00, s20;
	[sflag:s3] =	ssyncadd.s32 $0xFFFFFD60  }
0xc: {  	[tilespmem:s7], [sflag:$0x1] =	stream.indirect.gather [hbm4b:s5+s6], $0x80, s2, s6, $0xb8;
	[tilespmem:$0x15300] =	vst v63  }
0xd: {  	s8 =	simm.s32 $0x3B00  }
0xe: {  	[tilespmem:s8], [sflag:$0x1] =	stream.indirect.gather [hbm4b:s5+s6], $0x80, s6, s6, $0xb8;
	[tilespmem:$0x15300] =	vst v63  }
0xf: {  	s9 =	simm.s32 $0xE0;
	s10 =	simm.s32 $0x7300  }
0x10: {  	[tilespmem:s10], [sflag:$0x1] =	stream.indirect.gather [hbm4b:s5+s6], $0x80, s9, s6, $0xb8;
	[tilespmem:$0x15300] =	vst v63  }
0x11: {  	s11 =	simm.s32 $0x150;
	s12 =	simm.s32 $0xAB00  }
0x12: {  	[tilespmem:s12], [sflag:$0x1] =	stream.indirect.gather [hbm4b:s5+s6], $0x80, s11, s6, $0xb8;
	[tilespmem:$0x15300] =	vst v63  }
0x13: {  	s13 =	simm.s32 $0x1C0;
	s14 =	simm.s32 $0xE300  }
0x14: {  	[tilespmem:s14], [sflag:$0x1] =	stream.indirect.gather [hbm4b:s5+s6], $0x80, s13, s6, $0xb8;
	[tilespmem:$0x15300] =	vst v63  }
0x15: {  	s15 =	simm.s32 $0x230;
	s16 =	simm.s32 $0x11B00;
	s17 =	simm.s32 $0x1  }
0x16: {  	[tilespmem:s16], [sflag:$0x1] =	stream.indirect.gather [hbm4b:s5+s6], $0x80, s15, s6, $0xb8;
	[tilespmem:$0x15300] =	vst v63  }
0x17: {  	_ =	swait.ge [sflag:s17], $0x3800  }
0x18: {  	[sflag:s17] =	ssyncset.done $0x0  }
0x19: {  	[sflag:s17] =	ssyncadd.s32 $0xFFFFC800  }
0x1a: {  	_ =	swait.ge [sflag:s17], $0x3800  }
0x1b: {  	[sflag:s17] =	ssyncset.done $0x0  }
0x1c: {  	[sflag:s17] =	ssyncadd.s32 $0xFFFFC800  }
0x1d: {  	_ =	swait.ge [sflag:s17], $0x3800  }
0x1e: {  	[sflag:s17] =	ssyncset.done $0x0  }
0x1f: {  	[sflag:s17] =	ssyncadd.s32 $0xFFFFC800  }
0x20: {  	_ =	swait.ge [sflag:s17], $0x3800  }
0x21: {  	[sflag:s17] =	ssyncset.done $0x0  }
0x22: {  	s18 =	ssub.s32 $0x2, s18;
	[sflag:s17] =	ssyncadd.s32 $0xFFFFC800  }
0x23: {  	s21 =	sshrl.u32 s18, $0x1;
	_ =	swait.ge [sflag:s17], $0x3800  }
0x24: {  	s30 =	ssub.s32 s18, s21;
	[sflag:s17] =	ssyncset.done $0x0  }
0x25: {  	s19 =	smul.u32 $0x2A00, s19;
	s31 =	smax.u32 s30, $0x1;
	[sflag:s17] =	ssyncadd.s32 $0xFFFFC800  }
0x26: {  	p0 =	sne.s32 s31, $0x1;
	_ =	swait.ge [sflag:s17], $0x3800  }
.Ltmp0:
0x27: {  	s19 =	sadd.s32 s19, s20;
	[sflag:s17] =	ssyncset.done $0x0;
	(pc) =	sbr.rel @!p0 .LBB2_2-.Ltmp0, $4  }
0x28: {  	s18 =	sadd.s32 $0x6A00, s19;
	[sflag:s17] =	ssyncadd.s32 $0xFFFFC800  }
0x29: {  	[hbm4b:s18+s2] =	stream.linear.scatter [tilespmem:s7], [sflag:$0x2], $0x15000, $0x38;
	[tilespmem:$0x15300] =	vst v63  }
0x2a: {  	_ =	swait.ge [sflag:s3], $0x15000  }
0x2b: {  	s19 =	sadd.s32 $0xFFFFFFFF, s31;
	[sflag:s3] =	ssyncset.done $0x0  }
.LBB2_1:
0x2c: {  	p0 =	sne.s32 s19, $0x1;
	s19 =	sadd.s32 $0xFFFFFFFF, s19;
	[sflag:s3] =	ssyncadd.s32 $0xFFFEB000  }
0x2d: {  	[tilespmem:s2], [sflag:$0x2] =	stream.linear.gather [hbm4b:s4+s2], $0x2A0, $0x38;
	[tilespmem:$0x15300] =	vst v63  }
0x2e: {  	_ =	swait.ge [sflag:s3], $0x2A0  }
0x2f: {  	[sflag:s3] =	ssyncset.done $0x0  }
0x30: {  	[sflag:s3] =	ssyncadd.s32 $0xFFFFFD60  }
0x31: {  	[tilespmem:s7], [sflag:$0x1] =	stream.indirect.gather [hbm4b:s5+s6], $0x80, s2, s6, $0xb8;
	[tilespmem:$0x15300] =	vst v63  }
0x32: {  	_ = 	snop  }
0x33: {  	[tilespmem:s8], [sflag:$0x1] =	stream.indirect.gather [hbm4b:s5+s6], $0x80, s6, s6, $0xb8;
	[tilespmem:$0x15300] =	vst v63  }
0x34: {  	_ = 	snop  }
0x35: {  	[tilespmem:s10], [sflag:$0x1] =	stream.indirect.gather [hbm4b:s5+s6], $0x80, s9, s6, $0xb8;
	[tilespmem:$0x15300] =	vst v63  }
0x36: {  	_ = 	snop  }
0x37: {  	[tilespmem:s12], [sflag:$0x1] =	stream.indirect.gather [hbm4b:s5+s6], $0x80, s11, s6, $0xb8;
	[tilespmem:$0x15300] =	vst v63  }
0x38: {  	_ = 	snop  }
0x39: {  	[tilespmem:s14], [sflag:$0x1] =	stream.indirect.gather [hbm4b:s5+s6], $0x80, s13, s6, $0xb8;
	[tilespmem:$0x15300] =	vst v63  }
0x3a: {  	_ = 	snop  }
0x3b: {  	[tilespmem:s16], [sflag:$0x1] =	stream.indirect.gather [hbm4b:s5+s6], $0x80, s15, s6, $0xb8;
	[tilespmem:$0x15300] =	vst v63  }
0x3c: {  	_ =	swait.ge [sflag:s17], $0x3800  }
0x3d: {  	[sflag:s17] =	ssyncset.done $0x0  }
0x3e: {  	[sflag:s17] =	ssyncadd.s32 $0xFFFFC800  }
0x3f: {  	_ =	swait.ge [sflag:s17], $0x3800  }
0x40: {  	[sflag:s17] =	ssyncset.done $0x0  }
0x41: {  	[sflag:s17] =	ssyncadd.s32 $0xFFFFC800  }
0x42: {  	_ =	swait.ge [sflag:s17], $0x3800  }
0x43: {  	[sflag:s17] =	ssyncset.done $0x0  }
0x44: {  	[sflag:s17] =	ssyncadd.s32 $0xFFFFC800  }
0x45: {  	_ =	swait.ge [sflag:s17], $0x3800  }
0x46: {  	[sflag:s17] =	ssyncset.done $0x0  }
0x47: {  	[sflag:s17] =	ssyncadd.s32 $0xFFFFC800  }
0x48: {  	_ =	swait.ge [sflag:s17], $0x3800  }
0x49: {  	[sflag:s17] =	ssyncset.done $0x0  }
0x4a: {  	[sflag:s17] =	ssyncadd.s32 $0xFFFFC800  }
0x4b: {  	_ =	swait.ge [sflag:s17], $0x3800  }
.Ltmp1:
0x4c: {  	[sflag:s17] =	ssyncset.done $0x0;
	(pc) =	sbr.rel @p0 .LBB2_1-.Ltmp1, $4  }
0x4d: {  	[sflag:s17] =	ssyncadd.s32 $0xFFFFC800  }
0x4e: {  	[hbm4b:s18+s2] =	stream.linear.scatter [tilespmem:s7], [sflag:$0x2], $0x15000, $0x38;
	[tilespmem:$0x15300] =	vst v63  }
0x4f: {  	_ =	swait.ge [sflag:s3], $0x15000  }
0x50: {  	[sflag:s3] =	ssyncset.done $0x0  }
.LBB2_2:
0x51: {  	[sflag:s3] =	ssyncadd.s32 $0xFFFEB000  }
0x52: {  	_ =	sfence.sel $0x180000  }
0x53: {  	[bflag:$0x0] =	sbarrier.arrive $0xFFFF  }
0x54: {  	p0 =	sne.s32 s0, $0x0;
	_ =	strace $0x9000004D  }
0x55: {  	s0 =	sadd.s32 @!p0 $0x100000, s1;
	[bflag:$0x2] =	sbarrier.arrive $0xFFFF  }
0x56: {  	[sflag:s0] =	ssyncadd.tile.s32 @!p0 $0x1;
	_ =	shalt  }
.Lfunc_end2:
_tile_overlayer_lowered:
.L_overlay_start_2:
0x57: {  	(tag) =	ssettag $0x2  }
0x58: {  	s0 =	rddreg [dreg:$0x0];
	s2 =	stileid.u32  }
0x59: {  	s1 =	rddreg [dreg:$0x1];
	p0 =	sne.s32 s2, $0x0  }
0x5a: {  	s3 =	rddreg [dreg:$0x2];
	[bflag:$0x3] =	sbarrier.arrive $0xFFFF;
	s2 =	simm.s32 @!p0 $0x1C02  }
0x5b: {  	[timem:s3], [sflag:s2] =	dma.local @!p0 [hbm:s0], s1  }
0x5c: {  	s0 =	simm.s32 @!p0 $0x2  }
0x5d: {  	_ =	swait.ge @!p0 [sflag:s0], s1  }
0x5e: {  	s1 =	ssub.s32 @!p0 $0x0, s1;
	[sflag:s0] =	ssyncset.done @!p0 $0x0  }
0x5f: {  	[sflag:s0] =	ssyncadd.s32 @!p0 s1  }
0x60: {  	[bflag:$0x3] =	sbarrier.arrive $0xFFFF  }
0x61: {  	_ =	shalt  }

// kernel: kernel.9.cloned.1.call-start
scs
__scs_entry_jumppad:
0x0: {  	(pc) =	sbr.rel $0x88, $3  }
0x1: {  	(tag) =	ssettag $0x0;
	lr =	simm.s32 $0x1  }
0x2: {  	[smem:$0x3F81] =	sst lr;
	_ =	strace $0xD0000000  }
0x3: {  	_ = 	snop  }
0x4: {  	_ = 	snop  }
0x5: {  	_ = 	snop  }
0x6: {  	_ = 	snop  }
0x7: {  	_ = 	snop  }
__scs_overlays_trampoline_lowered:
0x8: {  	[smem:$0x3F90] =	sst s0  }
0x9: {  	[smem:$0x3F91] =	sst s1  }
0xa: {  	[smem:$0x3F92] =	sst s2  }
0xb: {  	[smem:$0x3F93] =	sst s3  }
0xc: {  	[smem:$0x3F94] =	sst s4  }
0xd: {  	[smem:$0x3F95] =	sst s5  }
0xe: {  	[smem:$0x3F96] =	sst s6  }
0xf: {  	[smem:$0x3F97] =	sst s7  }
0x10: {  	[smem:$0x3F98] =	sst s8  }
0x11: {  	[smem:$0x3F99] =	sst s9;
	s0 =	simm.s32 @!p0 $0x0  }
0x12: {  	s1 =	sld [smem:$0x3F7F];
	s0 =	simm.s32 @p0 $0x1  }
0x13: {  	[smem:$0x3F9A] =	sst s0;
	s0 =	simm.s32 @!p1 $0x0  }
0x14: {  	s2 =	sld [smem:$0x3F7E];
	s0 =	simm.s32 @p1 $0x1  }
0x15: {  	[smem:$0x3F9B] =	sst s0;
	s0 =	simm.s32 @!p2 $0x0  }
0x16: {  	s3 =	sld [smem:$0x3FDB];
	s0 =	simm.s32 @p2 $0x1  }
0x17: {  	s4 =	simm.s32 $0x1BF5;
	[smem:$0x3F9D] =	sst s0  }
0x18: {  	s0 =	sld [smem:$0x3F80];
	_ =	swait.ge [sflag:s4], $0x0  }
0x19: {  	s7 =	sld [smem:$0x3F81]  }
0x1a: {  	s8 =	sadd.s32 $0xFFFFE003, lr  }
0x1b: {  	s9 =	sadd.s32 $0xFFFFFEF7, lr;
	s5 =	simm.s32 $0xFFFFFFFF;
	p2 =	slt.u32 s8, $0xFFFFF086  }
0x1c: {  	p1 =	slt.u32 s9, $0xF7A;
	s5 =	simm.s32 @!p2 $0x0  }
0x1d: {  	s5 =	simm.s32 @p1 $0x1;
	p0 =	seq.s32 s7, s2  }
0x1e: {  	s7 =	smul.u32 @!p0 $0xF7A, s2;
	p2 =	seq.s32 @!p0 s5, $0x0  }
0x1f: {  	s9 =	smul.u32 $0xF7A, s1;
	s8 =	simm.s32 @!p0 $0x1BF5;
	p2 =	por !p2, p0  }
0x20: {  	[sflag:s8] =	ssyncset.s32 @!p0 $0xFFFFF086;
	s6 =	sadd.s32 @!p0 s3, s7;
	s7 =	simm.s32 @!p0 $0x108  }
0x21: {  	s3 =	sadd.s32 s3, s9;
	s6 =	sadd.s32 @!p0 $0x88, s6;
	s7 =	simm.s32 @p2 $0x1082  }
0x22: {  	[simem:s7], [sflag:s8] =	dma.local @!p0 [hbm:s6], $0xF7A  }
0x23: {  	s9 =	sor.u32 $0xD0000000, s2;
	s6 =	simm.s32 $0x108;
	_ =	swait.ge @!p0 [sflag:s8], $0x0  }
0x24: {  	s3 =	sadd.s32 $0x88, s3;
	s6 =	simm.s32 @!p1 $0x1082;
	[sflag:s4] =	ssyncset.s32 $0xFFFFF086  }
0x25: {  	[simem:s6], [sflag:s4] =	dma.local [hbm:s3], $0xF7A  }
0x26: {  	[smem:$0x3F81] =	sst s1;
	(tag) =	ssettag s2;
	_ =	strace s9  }
0x27: {  	s1 =	sld [smem:$0x3F91]  }
0x28: {  	s2 =	sld [smem:$0x3F92]  }
0x29: {  	s4 =	sld [smem:$0x3F94]  }
0x2a: {  	p0 =	seq.s32 s5, $0x0;
	s5 =	sld [smem:$0x3F95]  }
0x2b: {  	s6 =	sld [smem:$0x3F96]  }
0x2c: {  	s7 =	sld [smem:$0x3F97]  }
0x2d: {  	s3 =	simm.s32 $0x108;
	s8 =	sld [smem:$0x3F98]  }
0x2e: {  	s3 =	simm.s32 @!p0 $0x1082;
	s9 =	sld [smem:$0x3F99]  }
0x2f: {  	lr =	sadd.s32 s0, s3;
	s0 =	sld [smem:$0x3F90]  }
0x30: {  	s3 =	sld [smem:$0x3F93]  }
0x31: {  	[smem:$0x3F9C] =	sst s10  }
0x32: {  	s10 =	sld [smem:$0x3F9A];
	_ =	sdelay $0x3  }
0x33: {  	p0 =	seq.s32 s10, $0x1;
	s10 =	sld [smem:$0x3F9C];
	_ =	sdelay $0x3  }
0x34: {  	[smem:$0x3F9C] =	sst s10  }
0x35: {  	s10 =	sld [smem:$0x3F9B];
	_ =	sdelay $0x3  }
0x36: {  	p1 =	seq.s32 s10, $0x1;
	s10 =	sld [smem:$0x3F9C];
	_ =	sdelay $0x3  }
0x37: {  	[smem:$0x3F9C] =	sst s10  }
0x38: {  	s10 =	sld [smem:$0x3F9D]  }
0x39: {  	_ = 	snop;
	(pc) =	sbr.ind lr, $3  }
0x3a: {  	_ = 	snop  }
0x3b: {  	_ = 	snop  }
0x3c: {  	p2 =	seq.s32 s10, $0x1;
	s10 =	sld [smem:$0x3F9C]  }
0x3d: {  	_ =	shalt  }
0x3e: {  	_ =	shalt  }
0x3f: {  	_ =	shalt  }
0x40: {  	_ =	shalt  }
0x41: {  	_ =	shalt  }
0x42: {  	_ =	shalt  }
0x43: {  	_ =	shalt  }
0x44: {  	_ =	shalt  }
0x45: {  	_ =	shalt  }
0x46: {  	_ =	shalt  }
0x47: {  	_ =	shalt  }
0x48: {  	_ =	shalt  }
0x49: {  	_ =	shalt  }
0x4a: {  	_ =	shalt  }
0x4b: {  	_ =	shalt  }
0x4c: {  	_ =	shalt  }
0x4d: {  	_ =	shalt  }
0x4e: {  	_ =	shalt  }
0x4f: {  	_ =	shalt  }
0x50: {  	_ =	shalt  }
0x51: {  	_ =	shalt  }
0x52: {  	_ =	shalt  }
0x53: {  	_ =	shalt  }
0x54: {  	_ =	shalt  }
0x55: {  	_ =	shalt  }
0x56: {  	_ =	shalt  }
0x57: {  	_ =	shalt  }
0x58: {  	_ =	shalt  }
0x59: {  	_ =	shalt  }
0x5a: {  	_ =	shalt  }
0x5b: {  	_ =	shalt  }
0x5c: {  	_ =	shalt  }
0x5d: {  	_ =	shalt  }
0x5e: {  	_ =	shalt  }
0x5f: {  	_ =	shalt  }
0x60: {  	_ =	shalt  }
0x61: {  	_ =	shalt  }
0x62: {  	_ =	shalt  }
0x63: {  	_ =	shalt  }
0x64: {  	_ =	shalt  }
0x65: {  	_ =	shalt  }
0x66: {  	_ =	shalt  }
0x67: {  	_ =	shalt  }
0x68: {  	_ =	shalt  }
0x69: {  	_ =	shalt  }
0x6a: {  	_ =	shalt  }
0x6b: {  	_ =	shalt  }
0x6c: {  	_ =	shalt  }
0x6d: {  	_ =	shalt  }
0x6e: {  	_ =	shalt  }
0x6f: {  	_ =	shalt  }
0x70: {  	_ =	shalt  }
0x71: {  	_ =	shalt  }
0x72: {  	_ =	shalt  }
0x73: {  	_ =	shalt  }
0x74: {  	_ =	shalt  }
0x75: {  	_ =	shalt  }
0x76: {  	_ =	shalt  }
0x77: {  	_ =	shalt  }
0x78: {  	_ =	shalt  }
0x79: {  	_ =	shalt  }
0x7a: {  	_ =	shalt  }
0x7b: {  	_ =	shalt  }
0x7c: {  	_ =	shalt  }
0x7d: {  	_ =	shalt  }
0x7e: {  	_ =	shalt  }
0x7f: {  	_ =	shalt  }
0x80: {  	_ =	shalt  }
0x81: {  	_ =	shalt  }
0x82: {  	_ =	shalt  }
0x83: {  	_ =	shalt  }
0x84: {  	_ =	shalt  }
0x85: {  	_ =	shalt  }
0x86: {  	_ =	shalt  }
0x87: {  	_ =	shalt  }
.Lfunc_end0:
.L_simem_size_0:
called_computation_lowered:
.L_overlay_start_0:
0x88: {  	s2 =	sld [smem:$0x3FD9]  }
0x89: {  	s3 =	sld [smem:$0x3FFE];
	_ =	sdelay $0x1  }
0x8a: {  	s1 =	srdreg.scid  }
0x8b: {  	s0 =	sand.u32 $0x1, s1  }
0x8c: {  	s17 =	sshll.u32 s0, $0xA;
	s2 =	sadd.s32 s3, s2  }
0x8d: {  	s2 =	sadd.s32 s2, s17  }
0x8e: {  	[smem:$0x3FA8] =	sst s2  }
0x8f: {  	_ = 	snop  }
0x90: {  	s2 =	sld [smem:$0x3FC6]  }
0x91: {  	s18 =	sld [smem:$0x3FAA];
	(tm) =	ssettm $0x1  }
0x92: {  	s4 =	sld [smem:$0x3FFB];
	_ =	sdelay $0x3  }
0x93: {  	_ =	strace s4  }
0x94: {  	s4 =	sld [smem:$0x3FFC];
	_ =	sdelay $0x3  }
0x95: {  	_ =	strace s4  }
0x96: {  	s4 =	sld [smem:$0x3FFD];
	_ =	sdelay $0x3  }
0x97: {  	_ =	strace s4  }
0x98: {  	_ =	strace $0x8FFFFFFF  }
0x99: {  	s19 =	sld [smem:$0x3FDB];
	_ =	sdelay $0x1  }
0x9a: {  	s5 =	simm.s32 $_scs_section_size  }
0x9b: {  	s6 =	simm.s32 $_size__tile_overlayer_lowered;
	s7 =	simm.s32 $_tile_overlayer_lowered  }
0x9c: {  	s22 =	simm.s32 $0x1BFF;
	s21 =	sshll.u32 s7, $0x1;
	s4 =	sadd.s32 s5, s19  }
0x9d: {  	s8 =	simm.s32 $0x0;
	s20 =	sshll.u32 s6, $0x1;
	s6 =	sadd.s32 s21, s4  }
0x9e: {  	[timem:s8], [sflag:s22] =	dma.local [hbm:s6], s20  }
0x9f: {  	_ =	swait.ge [sflag:s22], s20  }
0xa0: {  	s5 =	ssub.s32 $0x0, s20;
	[sflag:s22] =	ssyncset.done $0x0  }
0xa1: {  	[sflag:s22] =	ssyncadd.s32 s5;
	_ =	sdelay $0x1  }
0xa2: {  	s23 =	simm.s32 $0x1B8B  }
0xa3: {  	_ =	swait.ge [sflag:s23], $0x1  }
0xa4: {  	[sflag:s23] =	ssyncset.done $0x0  }
0xa5: {  	s25 =	simm.s32 $0x1B8E;
	s24 =	sld [smem:$0x3FFE];
	[sflag:s23] =	ssyncadd.s32 $0xFFFFFFFF  }
0xa6: {  	s26 =	simm.s32 $execute0_lowered;
	[smem:$0x3FD2] =	sst s25  }
0xa7: {  	s6 =	sshll.u32 s26, $0x1;
	_ =	strace $0x80000046;
	[dreg:$0x1] =	wrdreg $0xFFFFFFFF  }
0xa8: {  	s28 =	simm.s32 $_size_execute0_lowered;
	s4 =	sadd.s32 s4, s6;
	[dreg:$0x0] =	wrdreg $0x0  }
0xa9: {  	s6 =	sshll.u32 s28, $0x1;
	[dreg:$0x2] =	wrdreg s4  }
0xaa: {  	[dreg:$0x3] =	wrdreg s6  }
0xab: {  	[dreg:$0x4] =	wrdreg $0xC0  }
0xac: {  	_ =	task [dreg:s8], $0x5FFFF  }
0xad: {  	[dreg:$0x1] =	wrdreg $0xFFFFFFFF  }
0xae: {  	[dreg:$0x0] =	wrdreg $0x60  }
0xaf: {  	[dreg:$0x2] =	wrdreg s18  }
0xb0: {  	[dreg:$0x3] =	wrdreg s2  }
0xb1: {  	[dreg:$0x4] =	wrdreg s24  }
0xb2: {  	[dreg:$0x5] =	wrdreg $0x9  }
0xb3: {  	_ =	task.clear_ibuf [dreg:s8], $0x6FFFF;
	_ =	strace $0x90000046  }
0xb4: {  	s29 =	simm.s32 $0x9;
	_ =	strace $0x80000048  }
0xb5: {  	_ =	swait.ge [sflag:s29], $0x1  }
0xb6: {  	[sflag:s29] =	ssyncadd.s32 $0xFFFFFFFF  }
0xb7: {  	_ =	strace $0x90000048  }
0xb8: {  	_ =	sfence  }
0xb9: {  	s30 =	sld [smem:$0x0];
	_ =	sdelay $0x2  }
0xba: {  	s31 =	sshll.u32 s1, $0xD;
	s1 =	sshrl.u32 s1, $0x2  }
0xbb: {  	s3 =	sand.u32 $0x4000, s31;
	s1 =	sadd.s32 s1, s30  }
0xbc: {  	s0 =	sor.u32 s3, s0;
	s1 =	sshll.u32 s1, $0x11  }
0xbd: {  	s0 =	sor.u32 s1, s0  }
0xbe: {  	s0 =	sadd.s32 $0x8F2B, s0  }
0xbf: {  	[sflag:s0] =	ssyncadd.remote.s32 $0x1  }
0xc0: {  	_ =	sfence.sel $0xFFFF  }
0xc1: {  	[dreg:$0x0] =	wrdreg $0xFFFFFFFF;
	(pc) =	sbr.abs _section_cstart, $3  }
0xc2: {  	[dreg:$0x1] =	wrdreg $0xFFFFFFFF  }
0xc3: {  	_ =	task.clear_ibuf [dreg:s8], $0x2FFFF;
	_ =	strace $0x9FFFFFFF  }
0xc4: {  	(tm) =	ssettm $0x7FFFFFFF  }
0xc5: {  	_ =	shalt  }
tec
execute0_lowered:
.L_overlay_start_1:
0x0: {  	(tag) =	ssettag $0x1  }
0x1: {  	s1 =	rddreg [dreg:$0x0];
	s2 =	srdreg.scid  }
0x2: {  	s4 =	rddreg [dreg:$0x1];
	s0 =	stileid.u32  }
0x3: {  	s9 =	rddreg [dreg:$0x2];
	s3 =	simm.s32 $0x0;
	s6 =	sand.u32 $0x1, s2  }
0x4: {  	s5 =	sshll.u32 s0, $0x6;
	s2 =	rddreg [dreg:$0x3];
	s7 =	sshll.u32 s6, $0x5  }
0x5: {  	s8 =	simm.s32 $0x1;
	[smem:$0x7FF] =	sst s3;
	s10 =	sor.u32 s7, s5  }
0x6: {  	_ =	strace $0x80000047;
	s11 =	ssub.s32 $0x2, s6;
	s5 =	sshrl.u32 s10, $0x3  }
0x7: {  	s6 =	simm.s32 $0x20;
	s5 =	sadd.s32 s4, s5;
	s4 =	simm.s32 $0x2  }
0x8: {  	[tilespmem:s3], [sflag:$0x2] =	stream.linear.gather [hbm4b:s5+s3], $0x20, $0x38;
	[tilespmem:$0x1080] =	vst v63  }
0x9: {  	s7 =	simm.s32 $0x80;
	s12 =	sshrl.u32 s11, $0x1;
	_ =	swait.ge [sflag:s4], $0x20  }
0xa: {  	s10 =	sshll.u32 s10, $0x4;
	s31 =	ssub.s32 s11, s12;
	[sflag:s4] =	ssyncset.done $0x0  }
0xb: {  	s9 =	sadd.s32 s10, s9;
	s10 =	smax.u32 s31, $0x1;
	[sflag:s4] =	ssyncadd.s32 $0xFFFFFFE0  }
0xc: {  	[tilespmem:s7], [sflag:$0x1] =	stream.indirect.gather [hbm4b:s1+s6], $0x80, s3, s6, $0xb8;
	[tilespmem:$0x1080] =	vst v63  }
0xd: {  	p0 =	sne.s32 s10, $0x1;
	_ =	swait.ge [sflag:s8], $0x1000  }
.Ltmp0:
0xe: {  	[sflag:s8] =	ssyncset.done $0x0;
	(pc) =	sbr.rel @!p0 .LBB2_2-.Ltmp0, $4  }
0xf: {  	s9 =	sadd.s32 $0x5E00, s9;
	[sflag:s8] =	ssyncadd.s32 $0xFFFFF000  }
0x10: {  	[hbm4b:s9+s3] =	stream.linear.scatter [tilespmem:s7], [sflag:$0x2], $0x1000, $0x38;
	[tilespmem:$0x1080] =	vst v63  }
0x11: {  	_ =	swait.ge [sflag:s4], $0x1000  }
0x12: {  	s10 =	sadd.s32 $0xFFFFFFFF, s10;
	[sflag:s4] =	ssyncset.done $0x0  }
.LBB2_1:
0x13: {  	p0 =	sne.s32 s10, $0x1;
	s10 =	sadd.s32 $0xFFFFFFFF, s10;
	[sflag:s4] =	ssyncadd.s32 $0xFFFFF000  }
0x14: {  	[tilespmem:s3], [sflag:$0x2] =	stream.linear.gather [hbm4b:s5+s3], $0x20, $0x38;
	[tilespmem:$0x1080] =	vst v63  }
0x15: {  	_ =	swait.ge [sflag:s4], $0x20  }
0x16: {  	[sflag:s4] =	ssyncset.done $0x0  }
0x17: {  	[sflag:s4] =	ssyncadd.s32 $0xFFFFFFE0  }
0x18: {  	[tilespmem:s7], [sflag:$0x1] =	stream.indirect.gather [hbm4b:s1+s6], $0x80, s3, s6, $0xb8;
	[tilespmem:$0x1080] =	vst v63  }
0x19: {  	_ =	swait.ge [sflag:s8], $0x1000  }
.Ltmp1:
0x1a: {  	[sflag:s8] =	ssyncset.done $0x0;
	(pc) =	sbr.rel @p0 .LBB2_1-.Ltmp1, $4  }
0x1b: {  	[sflag:s8] =	ssyncadd.s32 $0xFFFFF000  }
0x1c: {  	[hbm4b:s9+s3] =	stream.linear.scatter [tilespmem:s7], [sflag:$0x2], $0x1000, $0x38;
	[tilespmem:$0x1080] =	vst v63  }
0x1d: {  	_ =	swait.ge [sflag:s4], $0x1000  }
0x1e: {  	[sflag:s4] =	ssyncset.done $0x0  }
.LBB2_2:
0x1f: {  	[sflag:s4] =	ssyncadd.s32 $0xFFFFF000  }
0x20: {  	_ =	sfence.sel $0x180000  }
0x21: {  	[bflag:$0x0] =	sbarrier.arrive $0xFFFF  }
0x22: {  	p0 =	sne.s32 s0, $0x0;
	_ =	strace $0x90000047  }
0x23: {  	s0 =	sadd.s32 @!p0 $0x100000, s2;
	[bflag:$0x2] =	sbarrier.arrive $0xFFFF  }
0x24: {  	[sflag:s0] =	ssyncadd.tile.s32 @!p0 $0x1;
	_ =	shalt  }
.Lfunc_end2:
_tile_overlayer_lowered:
.L_overlay_start_2:
0x25: {  	(tag) =	ssettag $0x2  }
0x26: {  	s0 =	rddreg [dreg:$0x0];
	s2 =	stileid.u32  }
0x27: {  	s1 =	rddreg [dreg:$0x1];
	p0 =	sne.s32 s2, $0x0  }
0x28: {  	s3 =	rddreg [dreg:$0x2];
	[bflag:$0x3] =	sbarrier.arrive $0xFFFF;
	s2 =	simm.s32 @!p0 $0x1C02  }
0x29: {  	[timem:s3], [sflag:s2] =	dma.local @!p0 [hbm:s0], s1  }
0x2a: {  	s0 =	simm.s32 @!p0 $0x2  }
0x2b: {  	_ =	swait.ge @!p0 [sflag:s0], s1  }
0x2c: {  	s1 =	ssub.s32 @!p0 $0x0, s1;
	[sflag:s0] =	ssyncset.done @!p0 $0x0  }
0x2d: {  	[sflag:s0] =	ssyncadd.s32 @!p0 s1  }
0x2e: {  	[bflag:$0x3] =	sbarrier.arrive $0xFFFF  }
0x2f: {  	_ =	shalt  }

</sc_bundles>
